<compile_context>
chip_gen: v7x
topology: tpu7x:2x2x1
jax: 0.10.2.dev20260603
libtpu: 0.0.44.dev20260713+nightly
codegen_flags: <defaults>
</compile_context>

<pallas_src>
import functools

import jax
import jax.numpy as jnp
from jax import lax
from jax.experimental import pallas as pl
from jax.experimental.pallas import tpu as pltpu
from jax.experimental.pallas import tpu_sc as plsc

N = 10000
M = 32
F = 128
EF = 16
EPS = 1e-5

NH = N // 2
EH = NH * M

_NC = 2
_NS = 16
_NW = _NC * _NS
_EPW = EH // _NW
_CHUNK = 40
_NCHUNK = _EPW // _CHUNK

_BN1 = 1000
_BN3 = 200


def _k1_body(x_ref, wst_ref, wnt_ref, b_ref, p_ref, bt_ref):
    x = x_ref[...]
    p_ref[...] = jnp.dot(x, wst_ref[...], preferred_element_type=jnp.float32) + b_ref[...]
    bt_ref[...] = jnp.dot(x, wnt_ref[...], preferred_element_type=jnp.float32)


def _k1(x, wst, wnt, b1row):
    return pl.pallas_call(
        _k1_body,
        grid=(N // 2000,),
        in_specs=[
            pl.BlockSpec((2000, F), lambda i: (i, 0)),
            pl.BlockSpec((F, F), lambda i: (0, 0)),
            pl.BlockSpec((F, F), lambda i: (0, 0)),
            pl.BlockSpec((1, F), lambda i: (0, 0)),
        ],
        out_specs=[
            pl.BlockSpec((2000, F), lambda i: (i, 0)),
            pl.BlockSpec((2000, F), lambda i: (i, 0)),
        ],
        out_shape=[
            jax.ShapeDtypeStruct((N, F), jnp.float32),
            jax.ShapeDtypeStruct((N, F), jnp.float32),
        ],
    )(x, wst, wnt, b1row)


def _pack_chunk(rows_lo, rows_hi, packed, b):
    def body(rr, _):
        for g in range(F // 16):
            a = rows_lo[b, rr, pl.ds(g * 16, 16)]
            c = rows_hi[b, rr, pl.ds(g * 16, 16)]
            pk = plsc.pack(a, c, format=plsc.PackFormat.INTERLEAVED)
            packed[b, rr, pl.ds(g * 16, 16)] = plsc.bitcast(pk, jnp.int32)
        return _
    lax.fori_loop(0, _CHUNK, body, None)


def _sc_gather_body(table_hbm, idx_hbm, out_hbm, idx_lo, idx_hi,
                    rows_lo, rows_hi, packed,
                    glo0, glo1, ghi0, ghi1, w0, w1):
    wid = lax.axis_index("s") * _NC + lax.axis_index("c")
    base = wid * _EPW
    pltpu.sync_copy(idx_hbm.at[pl.ds(base, _EPW)], idx_lo)
    pltpu.sync_copy(idx_hbm.at[pl.ds(EH + base, _EPW)], idx_hi)
    glos = (glo0, glo1)
    ghis = (ghi0, ghi1)
    wsems = (w0, w1)

    def start_g(i, b):
        off = pl.multiple_of(i * _CHUNK, 8)
        glo = pltpu.async_copy(
            table_hbm.at[idx_lo.at[pl.ds(off, _CHUNK)]], rows_lo.at[b], glos[b])
        ghi = pltpu.async_copy(
            table_hbm.at[idx_hi.at[pl.ds(off, _CHUNK)]], rows_hi.at[b], ghis[b])
        return glo, ghi

    def wait_g(i, b):
        pltpu.make_async_copy(
            table_hbm.at[idx_lo.at[pl.ds(0, _CHUNK)]], rows_lo.at[b], glos[b]).wait()
        pltpu.make_async_copy(
            table_hbm.at[idx_hi.at[pl.ds(0, _CHUNK)]], rows_hi.at[b], ghis[b]).wait()

    def start_w(i, b):
        off = pl.multiple_of(i * _CHUNK, 8)
        return pltpu.async_copy(
            packed.at[b], out_hbm.at[pl.ds(base + off, _CHUNK)], wsems[b])

    def wait_w(b):
        pltpu.make_async_copy(
            packed.at[b], out_hbm.at[pl.ds(0, _CHUNK)], wsems[b]).wait()

    def do_chunk(i, b):
        @pl.when(i >= 2)
        def _():
            wait_w(b)
        wait_g(i, b)
        _pack_chunk(rows_lo, rows_hi, packed, b)
        start_w(i, b)
        nxt = i + 2
        @pl.when(nxt < _NCHUNK)
        def _():
            start_g(nxt, b)

    start_g(0, 0)
    start_g(1, 1)

    def outer(it, _):
        do_chunk(2 * it, 0)
        do_chunk(2 * it + 1, 1)
        return _
    lax.fori_loop(0, _NCHUNK // 2, outer, None)
    do_chunk(_NCHUNK - 1, 0)
    wait_w(1)
    wait_w(0)


def _gather_packed(table, idx_flat):
    mesh = plsc.VectorSubcoreMesh(core_axis_name="c", subcore_axis_name="s")
    fn = functools.partial(
        pl.kernel,
        mesh=mesh,
        compiler_params=pltpu.CompilerParams(needs_layout_passes=False),
        out_type=jax.ShapeDtypeStruct((EH, F), jnp.int32),
        scratch_types=[
            pltpu.VMEM((_EPW,), jnp.int32),
            pltpu.VMEM((_EPW,), jnp.int32),
            pltpu.VMEM((2, _CHUNK, F), jnp.float32),
            pltpu.VMEM((2, _CHUNK, F), jnp.float32),
            pltpu.VMEM((2, _CHUNK, F), jnp.int32),
            pltpu.SemaphoreType.DMA,
            pltpu.SemaphoreType.DMA,
            pltpu.SemaphoreType.DMA,
            pltpu.SemaphoreType.DMA,
            pltpu.SemaphoreType.DMA,
            pltpu.SemaphoreType.DMA,
        ],
    )(_sc_gather_body)
    return fn(table, idx_flat)


def _z_halves(g_ref, elo_ref, ehi_ref, plo_ref, phi_ref, we_ref):
    w = g_ref[...].reshape(_BN3 * M, F)
    zlo = lax.bitcast_convert_type(lax.shift_left(w, 16), jnp.float32)
    zhi = lax.bitcast_convert_type(w & (-65536), jnp.float32)
    we = we_ref[...]
    elo = jnp.dot(elo_ref[...].reshape(_BN3 * M, EF), we,
                  preferred_element_type=jnp.float32)
    ehi = jnp.dot(ehi_ref[...].reshape(_BN3 * M, EF), we,
                  preferred_element_type=jnp.float32)
    plo = jnp.broadcast_to(plo_ref[...][:, None, :], (_BN3, M, F)).reshape(_BN3 * M, F)
    phi = jnp.broadcast_to(phi_ref[...][:, None, :], (_BN3, M, F)).reshape(_BN3 * M, F)
    return zlo + elo + plo, zhi + ehi + phi


def _k3_body(g_ref, elo_ref, ehi_ref, plo_ref, phi_ref, we_ref, out_ref):
    zlo, zhi = _z_halves(g_ref, elo_ref, ehi_ref, plo_ref, phi_ref, we_ref)
    s1 = jnp.sum(zlo, axis=0) + jnp.sum(zhi, axis=0)
    s2 = jnp.sum(zlo * zlo, axis=0) + jnp.sum(zhi * zhi, axis=0)
    part = jnp.concatenate(
        [s1[None, :], s2[None, :], jnp.zeros((6, F), jnp.float32)], axis=0)

    @pl.when(pl.program_id(0) == 0)
    def _():
        out_ref[...] = part

    @pl.when(pl.program_id(0) != 0)
    def _():
        out_ref[...] += part


_NBH = NH // _BN3


def _k3(gp3, edge_fea, p, wet):
    return pl.pallas_call(
        _k3_body,
        grid=(_NBH,),
        in_specs=[
            pl.BlockSpec((_BN3, M, F), lambda i: (i, 0, 0)),
            pl.BlockSpec((_BN3, M, EF), lambda i: (i, 0, 0)),
            pl.BlockSpec((_BN3, M, EF), lambda i: (_NBH + i, 0, 0)),
            pl.BlockSpec((_BN3, F), lambda i: (i, 0)),
            pl.BlockSpec((_BN3, F), lambda i: (_NBH + i, 0)),
            pl.BlockSpec((EF, F), lambda i: (0, 0)),
        ],
        out_specs=pl.BlockSpec((8, F), lambda i: (0, 0)),
        out_shape=jax.ShapeDtypeStruct((8, F), jnp.float32),
    )(gp3, edge_fea, edge_fea, p, p, wet)


def _k4_body(g_ref, elo_ref, ehi_ref, plo_ref, phi_ref, we_ref,
             st_ref, g1_ref, be1_ref, slo_ref, shi_ref, out2_ref):
    cnt = float(N * M)
    mean = st_ref[0, :] / cnt
    var = st_ref[1, :] / cnt - mean * mean
    scale = g1_ref[0, :] * lax.rsqrt(var + EPS)
    shift = be1_ref[0, :] - mean * scale

    zlo, zhi = _z_halves(g_ref, elo_ref, ehi_ref, plo_ref, phi_ref, we_ref)
    flo = jax.nn.sigmoid(zlo * scale[None, :] + shift[None, :])
    fhi = jax.nn.sigmoid(zhi * scale[None, :] + shift[None, :])
    s_lo = jnp.sum((flo * flo).reshape(_BN3, M, F), axis=1)
    s_hi = jnp.sum((fhi * fhi).reshape(_BN3, M, F), axis=1)
    slo_ref[...] = s_lo
    shi_ref[...] = s_hi

    t1 = jnp.sum(s_lo, axis=0) + jnp.sum(s_hi, axis=0)
    t2 = jnp.sum(s_lo * s_lo, axis=0) + jnp.sum(s_hi * s_hi, axis=0)
    part = jnp.concatenate(
        [t1[None, :], t2[None, :], jnp.zeros((6, F), jnp.float32)], axis=0)

    @pl.when(pl.program_id(0) == 0)
    def _():
        out2_ref[...] = part

    @pl.when(pl.program_id(0) != 0)
    def _():
        out2_ref[...] += part


def _k4(gp3, edge_fea, p, wet, stats1, g1row, be1row):
    return pl.pallas_call(
        _k4_body,
        grid=(_NBH,),
        in_specs=[
            pl.BlockSpec((_BN3, M, F), lambda i: (i, 0, 0)),
            pl.BlockSpec((_BN3, M, EF), lambda i: (i, 0, 0)),
            pl.BlockSpec((_BN3, M, EF), lambda i: (_NBH + i, 0, 0)),
            pl.BlockSpec((_BN3, F), lambda i: (i, 0)),
            pl.BlockSpec((_BN3, F), lambda i: (_NBH + i, 0)),
            pl.BlockSpec((EF, F), lambda i: (0, 0)),
            pl.BlockSpec((8, F), lambda i: (0, 0)),
            pl.BlockSpec((1, F), lambda i: (0, 0)),
            pl.BlockSpec((1, F), lambda i: (0, 0)),
        ],
        out_specs=[
            pl.BlockSpec((_BN3, F), lambda i: (i, 0)),
            pl.BlockSpec((_BN3, F), lambda i: (i, 0)),
            pl.BlockSpec((8, F), lambda i: (0, 0)),
        ],
        out_shape=[
            jax.ShapeDtypeStruct((NH, F), jnp.float32),
            jax.ShapeDtypeStruct((NH, F), jnp.float32),
            jax.ShapeDtypeStruct((8, F), jnp.float32),
        ],
    )(gp3, edge_fea, edge_fea, p, p, wet, stats1, g1row, be1row)


def _k5_body(x_ref, s_ref, st2_ref, g2_ref, be2_ref, o_ref):
    cnt = float(N)
    mean = st2_ref[0, :] / cnt
    var = st2_ref[1, :] / cnt - mean * mean
    scale = g2_ref[0, :] * lax.rsqrt(var + EPS)
    shift = be2_ref[0, :] - mean * scale
    y = x_ref[...] + s_ref[...] * scale[None, :] + shift[None, :]
    o_ref[...] = jnp.maximum(y, 0.0) + jnp.log1p(jnp.exp(-jnp.abs(y)))


def _k5(x, s_half, stats2, g2row, be2row, half):
    nb = NH // _BN1
    return pl.pallas_call(
        _k5_body,
        grid=(nb,),
        in_specs=[
            pl.BlockSpec((_BN1, F), lambda i, h=half, n=nb: (h * n + i, 0)),
            pl.BlockSpec((_BN1, F), lambda i: (i, 0)),
            pl.BlockSpec((8, F), lambda i: (0, 0)),
            pl.BlockSpec((1, F), lambda i: (0, 0)),
            pl.BlockSpec((1, F), lambda i: (0, 0)),
        ],
        out_specs=pl.BlockSpec((_BN1, F), lambda i: (i, 0)),
        out_shape=jax.ShapeDtypeStruct((NH, F), jnp.float32),
    )(x, s_half, stats2, g2row, be2row)


def kernel(node_in_fea, edge_fea, W_fc, b_fc, bn1_gamma, bn1_beta,
           bn2_gamma, bn2_beta, edge_fea_idx):
    x = node_in_fea
    wst = W_fc[:F, :F].T
    wnt = W_fc[:F, F:2 * F].T
    wet = W_fc[:F, 2 * F:].T
    b1row = b_fc[:F].reshape(1, F)
    g1row = bn1_gamma[:F].reshape(1, F)
    be1row = bn1_beta[:F].reshape(1, F)
    g2row = bn2_gamma.reshape(1, F)
    be2row = bn2_beta.reshape(1, F)
    idx_flat = edge_fea_idx.reshape(N * M)

    p, bt = _k1(x, wst, wnt, b1row)

    gp = _gather_packed(bt, idx_flat)
    gp3 = gp.reshape(NH, M, F)

    stats1 = _k3(gp3, edge_fea, p, wet)
    s_lo, s_hi, stats2 = _k4(gp3, edge_fea, p, wet, stats1, g1row, be1row)

    out_lo = _k5(x, s_lo, stats2, g2row, be2row, 0)
    out_hi = _k5(x, s_hi, stats2, g2row, be2row, 1)
    return jnp.concatenate([out_lo, out_hi], axis=0)

# --- scband reference (transcript-rebuilt; emitter-appended) ---
"""Pipeline reference for scband-conv-layer-51058571215429 (READ-ONLY COPY).

The authoritative reference and input builder live on the scoring server;
editing this copy changes nothing except your own understanding.
"""

import jax, jax.numpy as jnp
import numpy as np

N = 10000
M = 32
NODE_FEA = 128
EDGE_FEA = 16
OUT_FEA = 128


def _batchnorm(x, gamma, beta, eps=1e-5):
    mean = jnp.mean(x, axis=0)
    var = jnp.var(x, axis=0)
    return (x - mean) / jnp.sqrt(var + eps) * gamma + beta


def setup_inputs(seed: int = 0) -> dict:
    key = jax.random.key(seed)
    ks = jax.random.split(key, 6)
    node_in_fea = jax.random.normal(ks[0], (N, NODE_FEA), dtype=jnp.float32)
    edge_fea = jax.random.normal(ks[1], (N, M, EDGE_FEA), dtype=jnp.float32)
    edge_fea_idx = jax.random.randint(ks[2], (N, M), 0, N, dtype=jnp.int32)
    fan_in = 2 * NODE_FEA + EDGE_FEA
    bound = 1.0 / np.sqrt(fan_in)
    W_fc = jax.random.uniform(ks[3], (2 * OUT_FEA, fan_in), dtype=jnp.float32, minval=-bound, maxval=bound)
    b_fc = jax.random.uniform(ks[4], (2 * OUT_FEA,), dtype=jnp.float32, minval=-bound, maxval=bound)
    bn1_gamma = jnp.ones((2 * OUT_FEA,), dtype=jnp.float32)
    bn1_beta = jnp.zeros((2 * OUT_FEA,), dtype=jnp.float32)
    bn2_gamma = jnp.ones((OUT_FEA,), dtype=jnp.float32)
    bn2_beta = jnp.zeros((OUT_FEA,), dtype=jnp.float32)
    return {"node_in_fea": node_in_fea, "edge_fea": edge_fea, "W_fc": W_fc, "b_fc": b_fc, "bn1_gamma": bn1_gamma, "bn1_beta": bn1_beta, "bn2_gamma": bn2_gamma, "bn2_beta": bn2_beta, "edge_fea_idx": edge_fea_idx}


def reference(node_in_fea, edge_fea, W_fc, b_fc, bn1_gamma, bn1_beta, bn2_gamma, bn2_beta, edge_fea_idx):
    n, m = edge_fea_idx.shape
    node_edge_fea = node_in_fea[edge_fea_idx, :]
    total_nbr_fea = jnp.concatenate([
        jnp.broadcast_to(node_in_fea[:, None, :], (n, m, NODE_FEA)),
        node_edge_fea,
        edge_fea,
    ], axis=2)
    total_gated_fea = total_nbr_fea @ W_fc.T + b_fc
    total_gated_fea = _batchnorm(total_gated_fea.reshape(-1, 2 * OUT_FEA), bn1_gamma, bn1_beta).reshape(n, m, 2 * OUT_FEA)
    nbr_filter, nbr_core = jnp.split(total_gated_fea, 2, axis=2)
    nbr_filter = jax.nn.sigmoid(nbr_filter)
    nbr_core = jax.nn.softplus(nbr_core)
    mask = jnp.where(edge_fea_idx < 0, 0, 1).astype(total_gated_fea.dtype)
    nbr_filter = nbr_filter * mask[:, :, None]
    nbr_core = nbr_filter * mask[:, :, None]
    nbr_sumed = jnp.sum(nbr_filter * nbr_core, axis=1)
    nbr_sumed = _batchnorm(nbr_sumed, bn2_gamma, bn2_beta)
    out = jax.nn.softplus(node_in_fea + nbr_sumed)
    return out

if __name__ == "__main__":
    import jax
    _d = setup_inputs()
    print(jax.jit(kernel)(*tuple(_d.values())))

</pallas_src>

<mosaic_0001>
#map = affine_map<(d0, d1) -> (0, 0)>
#map1 = affine_map<(d0, d1) -> (0)>
module attributes {stable_mosaic.version = 14 : i64} {
  func.func @_sc_gather_body(%arg0: i32, %arg1: i32, %arg2: memref<10000x128xf32, #tpu.memory_space<hbm>>, %arg3: memref<320000xi32, #tpu.memory_space<hbm>>, %arg4: memref<160000x128xi32, #tpu.memory_space<hbm>>, %arg5: memref<5000xi32, #tpu.memory_space<vmem>>, %arg6: memref<5000xi32, #tpu.memory_space<vmem>>, %arg7: memref<2x40x128xf32, #tpu.memory_space<vmem>>, %arg8: memref<2x40x128xf32, #tpu.memory_space<vmem>>, %arg9: memref<2x40x128xi32, #tpu.memory_space<vmem>>, %arg10: memref<!tpu.dma_semaphore, #tpu.memory_space<semaphore_mem>>, %arg11: memref<!tpu.dma_semaphore, #tpu.memory_space<semaphore_mem>>, %arg12: memref<!tpu.dma_semaphore, #tpu.memory_space<semaphore_mem>>, %arg13: memref<!tpu.dma_semaphore, #tpu.memory_space<semaphore_mem>>, %arg14: memref<!tpu.dma_semaphore, #tpu.memory_space<semaphore_mem>>, %arg15: memref<!tpu.dma_semaphore, #tpu.memory_space<semaphore_mem>>) attributes {dimension_semantics = [#tpu.dimension_semantics<core_parallel>, #tpu.dimension_semantics<subcore_parallel>], iteration_bounds = array<i64: 2, 16>, scalar_prefetch = 0 : i64, scratch_operands = 11 : i64, tpu.core_type = #tpu.core_type<sc_vector_subcore>, window_params = [{transform_indices = #map}, {transform_indices = #map1}, {transform_indices = #map}]} {
    %mul3A = arith.constant 2 : i32
    %mul3A_0 = arith.muli %arg1, %mul3A : i32
    %add3A = arith.addi %mul3A_0, %arg0 : i32
    %mul3A_1 = arith.constant 5000 : i32
    %mul3A_2 = arith.muli %add3A, %mul3A_1 : i32
    "tpu.region"() ({
      %run_scoped3A = tpu.sem_alloc : memref<!tpu.dma_semaphore, #tpu.memory_space<semaphore_mem>>
      %dma_start3A_132 = tpu.memref_slice %arg3[%mul3A_2] : memref<320000xi32, #tpu.memory_space<hbm>> -> memref<5000xi32, #tpu.memory_space<hbm>>
      %dma_start3A_133 = tpu.memref_slice %arg3[%mul3A_2] : memref<320000xi32, #tpu.memory_space<hbm>> -> memref<5000xi32, #tpu.memory_space<hbm>>
      tpu.enqueue_dma source(%dma_start3A_133 : memref<5000xi32, #tpu.memory_space<hbm>>) target(%arg5 : memref<5000xi32, #tpu.memory_space<vmem>>) target_semaphore(%run_scoped3A : memref<!tpu.dma_semaphore, #tpu.memory_space<semaphore_mem>>)
      %dma_wait3A_134 = tpu.memref_slice %arg3[%mul3A_2] : memref<320000xi32, #tpu.memory_space<hbm>> -> memref<5000xi32, #tpu.memory_space<hbm>>
      %dma_wait3A_135 = tpu.memref_slice %arg3[%mul3A_2] : memref<320000xi32, #tpu.memory_space<hbm>> -> memref<5000xi32, #tpu.memory_space<hbm>>
      tpu.wait_dma2 semaphore(%run_scoped3A : memref<!tpu.dma_semaphore, #tpu.memory_space<semaphore_mem>>) src(%dma_wait3A_135 : memref<5000xi32, #tpu.memory_space<hbm>>) dst(%arg5 : memref<5000xi32, #tpu.memory_space<vmem>>)
      tpu.yield
    }) : () -> ()
    %add3A_3 = arith.constant 160000 : i32
    %add3A_4 = arith.addi %add3A_3, %mul3A_2 : i32
    "tpu.region"() ({
      %run_scoped3A = tpu.sem_alloc : memref<!tpu.dma_semaphore, #tpu.memory_space<semaphore_mem>>
      %dma_start3A_132 = tpu.memref_slice %arg3[%add3A_4] : memref<320000xi32, #tpu.memory_space<hbm>> -> memref<5000xi32, #tpu.memory_space<hbm>>
      %dma_start3A_133 = tpu.memref_slice %arg3[%add3A_4] : memref<320000xi32, #tpu.memory_space<hbm>> -> memref<5000xi32, #tpu.memory_space<hbm>>
      tpu.enqueue_dma source(%dma_start3A_133 : memref<5000xi32, #tpu.memory_space<hbm>>) target(%arg6 : memref<5000xi32, #tpu.memory_space<vmem>>) target_semaphore(%run_scoped3A : memref<!tpu.dma_semaphore, #tpu.memory_space<semaphore_mem>>)
      %dma_wait3A_134 = tpu.memref_slice %arg3[%add3A_4] : memref<320000xi32, #tpu.memory_space<hbm>> -> memref<5000xi32, #tpu.memory_space<hbm>>
      %dma_wait3A_135 = tpu.memref_slice %arg3[%add3A_4] : memref<320000xi32, #tpu.memory_space<hbm>> -> memref<5000xi32, #tpu.memory_space<hbm>>
      tpu.wait_dma2 semaphore(%run_scoped3A : memref<!tpu.dma_semaphore, #tpu.memory_space<semaphore_mem>>) src(%dma_wait3A_135 : memref<5000xi32, #tpu.memory_space<hbm>>) dst(%arg6 : memref<5000xi32, #tpu.memory_space<vmem>>)
      tpu.yield
    }) : () -> ()
    %multiple_of3A = arith.constant 0 : i32
    %multiple_of3A_5 = tpu.assume_multiple %multiple_of3A, 8 : i32
    %dma_start3A = arith.constant 0 : i32
    %dma_start3A_6 = arith.constant 0 : i32
    %dma_start3A_7 = arith.constant 0 : i32
    %dma_start3A_8 = tpu.memref_slice %arg7[%dma_start3A, %dma_start3A_6, %dma_start3A_7] : memref<2x40x128xf32, #tpu.memory_space<vmem>> -> memref<1x40x128xf32, #tpu.memory_space<vmem>>
    %dma_start3A_9 = tpu.memref_squeeze %dma_start3A_8 : memref<1x40x128xf32, #tpu.memory_space<vmem>> -> memref<40x128xf32, #tpu.memory_space<vmem>>
    %dma_start3A_10 = tpu.memref_slice %arg5[%multiple_of3A_5] : memref<5000xi32, #tpu.memory_space<vmem>> -> memref<40xi32, #tpu.memory_space<vmem>>
    %dma_start3A_11 = arith.constant 0 : i32
    %dma_start3A_12 = arith.constant 0 : i32
    %dma_start3A_13 = tpu.memref_slice %arg2[%dma_start3A_11, %dma_start3A_12] : memref<10000x128xf32, #tpu.memory_space<hbm>> -> memref<10000x128xf32, #tpu.memory_space<hbm>>
    tpu.enqueue_indirect_dma source(%dma_start3A_13 : memref<10000x128xf32, #tpu.memory_space<hbm>>) target(%dma_start3A_9 : memref<40x128xf32, #tpu.memory_space<vmem>>) offsets(%dma_start3A_10 : memref<40xi32, #tpu.memory_space<vmem>>) semaphore(%arg10 : memref<!tpu.dma_semaphore, #tpu.memory_space<semaphore_mem>>)
    %dma_start3A_14 = arith.constant 0 : i32
    %dma_start3A_15 = arith.constant 0 : i32
    %dma_start3A_16 = arith.constant 0 : i32
    %dma_start3A_17 = tpu.memref_slice %arg8[%dma_start3A_14, %dma_start3A_15, %dma_start3A_16] : memref<2x40x128xf32, #tpu.memory_space<vmem>> -> memref<1x40x128xf32, #tpu.memory_space<vmem>>
    %dma_start3A_18 = tpu.memref_squeeze %dma_start3A_17 : memref<1x40x128xf32, #tpu.memory_space<vmem>> -> memref<40x128xf32, #tpu.memory_space<vmem>>
    %dma_start3A_19 = tpu.memref_slice %arg6[%multiple_of3A_5] : memref<5000xi32, #tpu.memory_space<vmem>> -> memref<40xi32, #tpu.memory_space<vmem>>
    %dma_start3A_20 = arith.constant 0 : i32
    %dma_start3A_21 = arith.constant 0 : i32
    %dma_start3A_22 = tpu.memref_slice %arg2[%dma_start3A_20, %dma_start3A_21] : memref<10000x128xf32, #tpu.memory_space<hbm>> -> memref<10000x128xf32, #tpu.memory_space<hbm>>
    tpu.enqueue_indirect_dma source(%dma_start3A_22 : memref<10000x128xf32, #tpu.memory_space<hbm>>) target(%dma_start3A_18 : memref<40x128xf32, #tpu.memory_space<vmem>>) offsets(%dma_start3A_19 : memref<40xi32, #tpu.memory_space<vmem>>) semaphore(%arg12 : memref<!tpu.dma_semaphore, #tpu.memory_space<semaphore_mem>>)
    %multiple_of3A_23 = arith.constant 40 : i32
    %multiple_of3A_24 = tpu.assume_multiple %multiple_of3A_23, 8 : i32
    %dma_start3A_25 = arith.constant 1 : i32
    %dma_start3A_26 = arith.constant 0 : i32
    %dma_start3A_27 = arith.constant 0 : i32
    %dma_start3A_28 = tpu.memref_slice %arg7[%dma_start3A_25, %dma_start3A_26, %dma_start3A_27] : memref<2x40x128xf32, #tpu.memory_space<vmem>> -> memref<1x40x128xf32, #tpu.memory_space<vmem>>
    %dma_start3A_29 = tpu.memref_squeeze %dma_start3A_28 : memref<1x40x128xf32, #tpu.memory_space<vmem>> -> memref<40x128xf32, #tpu.memory_space<vmem>>
    %dma_start3A_30 = tpu.memref_slice %arg5[%multiple_of3A_24] : memref<5000xi32, #tpu.memory_space<vmem>> -> memref<40xi32, #tpu.memory_space<vmem>>
    %dma_start3A_31 = arith.constant 0 : i32
    %dma_start3A_32 = arith.constant 0 : i32
    %dma_start3A_33 = tpu.memref_slice %arg2[%dma_start3A_31, %dma_start3A_32] : memref<10000x128xf32, #tpu.memory_space<hbm>> -> memref<10000x128xf32, #tpu.memory_space<hbm>>
    tpu.enqueue_indirect_dma source(%dma_start3A_33 : memref<10000x128xf32, #tpu.memory_space<hbm>>) target(%dma_start3A_29 : memref<40x128xf32, #tpu.memory_space<vmem>>) offsets(%dma_start3A_30 : memref<40xi32, #tpu.memory_space<vmem>>) semaphore(%arg11 : memref<!tpu.dma_semaphore, #tpu.memory_space<semaphore_mem>>)
    %dma_start3A_34 = arith.constant 1 : i32
    %dma_start3A_35 = arith.constant 0 : i32
    %dma_start3A_36 = arith.constant 0 : i32
    %dma_start3A_37 = tpu.memref_slice %arg8[%dma_start3A_34, %dma_start3A_35, %dma_start3A_36] : memref<2x40x128xf32, #tpu.memory_space<vmem>> -> memref<1x40x128xf32, #tpu.memory_space<vmem>>
    %dma_start3A_38 = tpu.memref_squeeze %dma_start3A_37 : memref<1x40x128xf32, #tpu.memory_space<vmem>> -> memref<40x128xf32, #tpu.memory_space<vmem>>
    %dma_start3A_39 = tpu.memref_slice %arg6[%multiple_of3A_24] : memref<5000xi32, #tpu.memory_space<vmem>> -> memref<40xi32, #tpu.memory_space<vmem>>
    %dma_start3A_40 = arith.constant 0 : i32
    %dma_start3A_41 = arith.constant 0 : i32
    %dma_start3A_42 = tpu.memref_slice %arg2[%dma_start3A_40, %dma_start3A_41] : memref<10000x128xf32, #tpu.memory_space<hbm>> -> memref<10000x128xf32, #tpu.memory_space<hbm>>
    tpu.enqueue_indirect_dma source(%dma_start3A_42 : memref<10000x128xf32, #tpu.memory_space<hbm>>) target(%dma_start3A_38 : memref<40x128xf32, #tpu.memory_space<vmem>>) offsets(%dma_start3A_39 : memref<40xi32, #tpu.memory_space<vmem>>) semaphore(%arg13 : memref<!tpu.dma_semaphore, #tpu.memory_space<semaphore_mem>>)
    %scan3A = arith.constant 0 : i32
    %scan3A_43 = arith.constant 62 : i32
    %scan3A_44 = arith.addi %scan3A, %scan3A_43 : i32
    %scan3A_45 = arith.constant 1 : i32
    scf.for %scan3A_132 = %scan3A to %scan3A_44 step %scan3A_45  : i32 {
      %mul3A_133 = arith.constant 2 : i32
      %mul3A_134 = arith.muli %mul3A_133, %scan3A_132 : i32
      %ge3A = arith.constant 2 : i32
      %ge3A_135 = arith.cmpi sge, %mul3A_134, %ge3A : i32
      %convert_element_type3A = arith.extui %ge3A_135 : i1 to i32
      %cond3A = arith.constant 0 : i32
      %cond3A_136 = arith.cmpi ne, %convert_element_type3A, %cond3A : i32
      scf.if %cond3A_136 {
        %dma_wait3A_243 = arith.constant 0 : i32
        %dma_wait3A_244 = arith.constant 0 : i32
        %dma_wait3A_245 = arith.constant 0 : i32
        %dma_wait3A_246 = tpu.memref_slice %arg9[%dma_wait3A_243, %dma_wait3A_244, %dma_wait3A_245] : memref<2x40x128xi32, #tpu.memory_space<vmem>> -> memref<1x40x128xi32, #tpu.memory_space<vmem>>
        %dma_wait3A_247 = tpu.memref_squeeze %dma_wait3A_246 : memref<1x40x128xi32, #tpu.memory_space<vmem>> -> memref<40x128xi32, #tpu.memory_space<vmem>>
        %dma_wait3A_248 = arith.constant 0 : i32
        %dma_wait3A_249 = arith.constant 0 : i32
        %dma_wait3A_250 = tpu.memref_slice %arg4[%dma_wait3A_248, %dma_wait3A_249] : memref<160000x128xi32, #tpu.memory_space<hbm>> -> memref<40x128xi32, #tpu.memory_space<hbm>>
        %dma_wait3A_251 = arith.constant 0 : i32
        %dma_wait3A_252 = arith.constant 0 : i32
        %dma_wait3A_253 = tpu.memref_slice %arg4[%dma_wait3A_251, %dma_wait3A_252] : memref<160000x128xi32, #tpu.memory_space<hbm>> -> memref<40x128xi32, #tpu.memory_space<hbm>>
        %dma_wait3A_254 = arith.constant 0 : i32
        %dma_wait3A_255 = arith.constant 0 : i32
        %dma_wait3A_256 = tpu.memref_slice %arg9[%dma_wait3A_243, %dma_wait3A_254, %dma_wait3A_255] : memref<2x40x128xi32, #tpu.memory_space<vmem>> -> memref<1x40x128xi32, #tpu.memory_space<vmem>>
        %dma_wait3A_257 = tpu.memref_squeeze %dma_wait3A_256 : memref<1x40x128xi32, #tpu.memory_space<vmem>> -> memref<40x128xi32, #tpu.memory_space<vmem>>
        tpu.wait_dma2 semaphore(%arg14 : memref<!tpu.dma_semaphore, #tpu.memory_space<semaphore_mem>>) src(%dma_wait3A_257 : memref<40x128xi32, #tpu.memory_space<vmem>>) dst(%dma_wait3A_253 : memref<40x128xi32, #tpu.memory_space<hbm>>)
      } else {
      }
      %dma_wait3A_137 = arith.constant 0 : i32
      %dma_wait3A_138 = arith.constant 0 : i32
      %dma_wait3A_139 = arith.constant 0 : i32
      %dma_wait3A_140 = tpu.memref_slice %arg7[%dma_wait3A_137, %dma_wait3A_138, %dma_wait3A_139] : memref<2x40x128xf32, #tpu.memory_space<vmem>> -> memref<1x40x128xf32, #tpu.memory_space<vmem>>
      %dma_wait3A_141 = tpu.memref_squeeze %dma_wait3A_140 : memref<1x40x128xf32, #tpu.memory_space<vmem>> -> memref<40x128xf32, #tpu.memory_space<vmem>>
      %dma_wait3A_142 = arith.constant 0 : i32
      %dma_wait3A_143 = tpu.memref_slice %arg5[%dma_wait3A_142] : memref<5000xi32, #tpu.memory_space<vmem>> -> memref<40xi32, #tpu.memory_space<vmem>>
      %dma_wait3A_144 = arith.constant 0 : i32
      %dma_wait3A_145 = arith.constant 0 : i32
      %dma_wait3A_146 = tpu.memref_slice %arg2[%dma_wait3A_144, %dma_wait3A_145] : memref<10000x128xf32, #tpu.memory_space<hbm>> -> memref<10000x128xf32, #tpu.memory_space<hbm>>
      tpu.wait_indirect_dma semaphore(%arg10 : memref<!tpu.dma_semaphore, #tpu.memory_space<semaphore_mem>>) src(%dma_wait3A_146 : memref<10000x128xf32, #tpu.memory_space<hbm>>) dst(%dma_wait3A_141 : memref<40x128xf32, #tpu.memory_space<vmem>>)
      %dma_wait3A_147 = arith.constant 0 : i32
      %dma_wait3A_148 = arith.constant 0 : i32
      %dma_wait3A_149 = arith.constant 0 : i32
      %dma_wait3A_150 = tpu.memref_slice %arg8[%dma_wait3A_147, %dma_wait3A_148, %dma_wait3A_149] : memref<2x40x128xf32, #tpu.memory_space<vmem>> -> memref<1x40x128xf32, #tpu.memory_space<vmem>>
      %dma_wait3A_151 = tpu.memref_squeeze %dma_wait3A_150 : memref<1x40x128xf32, #tpu.memory_space<vmem>> -> memref<40x128xf32, #tpu.memory_space<vmem>>
      %dma_wait3A_152 = arith.constant 0 : i32
      %dma_wait3A_153 = tpu.memref_slice %arg6[%dma_wait3A_152] : memref<5000xi32, #tpu.memory_space<vmem>> -> memref<40xi32, #tpu.memory_space<vmem>>
      %dma_wait3A_154 = arith.constant 0 : i32
      %dma_wait3A_155 = arith.constant 0 : i32
      %dma_wait3A_156 = tpu.memref_slice %arg2[%dma_wait3A_154, %dma_wait3A_155] : memref<10000x128xf32, #tpu.memory_space<hbm>> -> memref<10000x128xf32, #tpu.memory_space<hbm>>
      tpu.wait_indirect_dma semaphore(%arg12 : memref<!tpu.dma_semaphore, #tpu.memory_space<semaphore_mem>>) src(%dma_wait3A_156 : memref<10000x128xf32, #tpu.memory_space<hbm>>) dst(%dma_wait3A_151 : memref<40x128xf32, #tpu.memory_space<vmem>>)
      %scan3A_157 = arith.constant 0 : i32
      %scan3A_158 = arith.constant 40 : i32
      %scan3A_159 = arith.addi %scan3A_157, %scan3A_158 : i32
      %scan3A_160 = arith.constant 1 : i32
      scf.for %scan3A_243 = %scan3A_157 to %scan3A_159 step %scan3A_160  : i32 {
        %get3A = arith.constant 0 : i32
        %get3A_244 = arith.index_cast %get3A : i32 to index
        %get3A_245 = arith.index_cast %scan3A_243 : i32 to index
        %get3A_246 = arith.constant 0 : index
        %get3A_247 = tpu.vector_load %arg7[%get3A_244, %get3A_245, %get3A_246] {strides = array<i32>} : memref<2x40x128xf32, #tpu.memory_space<vmem>>, vector<16xf32>,
        %get3A_248 = arith.constant 0 : i32
        %get3A_249 = arith.index_cast %get3A_248 : i32 to index
        %get3A_250 = arith.index_cast %scan3A_243 : i32 to index
        %get3A_251 = arith.constant 0 : index
        %get3A_252 = tpu.vector_load %arg8[%get3A_249, %get3A_250, %get3A_251] {strides = array<i32>} : memref<2x40x128xf32, #tpu.memory_space<vmem>>, vector<16xf32>,
        %pack3A = tpu.pack_subelements %get3A_247, %get3A_252 {pack_format = #tpu.pack_format<interleaved>, positions = array<i32: 0, 1>} : vector<16xf32>, vector<16xf32> -> vector<32xbf16>
        %bitcast3A = vector.bitcast %pack3A : vector<32xbf16> to vector<16xi32>
        %swap3A = arith.constant 0 : i32
        %swap3A_253 = arith.index_cast %swap3A : i32 to index
        %swap3A_254 = arith.index_cast %scan3A_243 : i32 to index
        %swap3A_255 = arith.constant 0 : index
        %swap3A_256 = tpu.vector_load %arg9[%swap3A_253, %swap3A_254, %swap3A_255] {strides = array<i32>} : memref<2x40x128xi32, #tpu.memory_space<vmem>>, vector<16xi32>,
        tpu.vector_store %arg9[%swap3A_253, %swap3A_254, %swap3A_255], %bitcast3A {strides = array<i32>} : memref<2x40x128xi32, #tpu.memory_space<vmem>>, vector<16xi32>,
        %get3A_257 = arith.constant 0 : i32
        %get3A_258 = arith.index_cast %get3A_257 : i32 to index
        %get3A_259 = arith.index_cast %scan3A_243 : i32 to index
        %get3A_260 = arith.constant 16 : index
        %get3A_261 = tpu.vector_load %arg7[%get3A_258, %get3A_259, %get3A_260] {strides = array<i32>} : memref<2x40x128xf32, #tpu.memory_space<vmem>>, vector<16xf32>,
        %get3A_262 = arith.constant 0 : i32
        %get3A_263 = arith.index_cast %get3A_262 : i32 to index
        %get3A_264 = arith.index_cast %scan3A_243 : i32 to index
        %get3A_265 = arith.constant 16 : index
        %get3A_266 = tpu.vector_load %arg8[%get3A_263, %get3A_264, %get3A_265] {strides = array<i32>} : memref<2x40x128xf32, #tpu.memory_space<vmem>>, vector<16xf32>,
        %pack3A_267 = tpu.pack_subelements %get3A_261, %get3A_266 {pack_format = #tpu.pack_format<interleaved>, positions = array<i32: 0, 1>} : vector<16xf32>, vector<16xf32> -> vector<32xbf16>
        %bitcast3A_268 = vector.bitcast %pack3A_267 : vector<32xbf16> to vector<16xi32>
        %swap3A_269 = arith.constant 0 : i32
        %swap3A_270 = arith.index_cast %swap3A_269 : i32 to index
        %swap3A_271 = arith.index_cast %scan3A_243 : i32 to index
        %swap3A_272 = arith.constant 16 : index
        %swap3A_273 = tpu.vector_load %arg9[%swap3A_270, %swap3A_271, %swap3A_272] {strides = array<i32>} : memref<2x40x128xi32, #tpu.memory_space<vmem>>, vector<16xi32>,
        tpu.vector_store %arg9[%swap3A_270, %swap3A_271, %swap3A_272], %bitcast3A_268 {strides = array<i32>} : memref<2x40x128xi32, #tpu.memory_space<vmem>>, vector<16xi32>,
        %get3A_274 = arith.constant 0 : i32
        %get3A_275 = arith.index_cast %get3A_274 : i32 to index
        %get3A_276 = arith.index_cast %scan3A_243 : i32 to index
        %get3A_277 = arith.constant 32 : index
        %get3A_278 = tpu.vector_load %arg7[%get3A_275, %get3A_276, %get3A_277] {strides = array<i32>} : memref<2x40x128xf32, #tpu.memory_space<vmem>>, vector<16xf32>,
        %get3A_279 = arith.constant 0 : i32
        %get3A_280 = arith.index_cast %get3A_279 : i32 to index
        %get3A_281 = arith.index_cast %scan3A_243 : i32 to index
        %get3A_282 = arith.constant 32 : index
        %get3A_283 = tpu.vector_load %arg8[%get3A_280, %get3A_281, %get3A_282] {strides = array<i32>} : memref<2x40x128xf32, #tpu.memory_space<vmem>>, vector<16xf32>,
        %pack3A_284 = tpu.pack_subelements %get3A_278, %get3A_283 {pack_format = #tpu.pack_format<interleaved>, positions = array<i32: 0, 1>} : vector<16xf32>, vector<16xf32> -> vector<32xbf16>
        %bitcast3A_285 = vector.bitcast %pack3A_284 : vector<32xbf16> to vector<16xi32>
        %swap3A_286 = arith.constant 0 : i32
        %swap3A_287 = arith.index_cast %swap3A_286 : i32 to index
        %swap3A_288 = arith.index_cast %scan3A_243 : i32 to index
        %swap3A_289 = arith.constant 32 : index
        %swap3A_290 = tpu.vector_load %arg9[%swap3A_287, %swap3A_288, %swap3A_289] {strides = array<i32>} : memref<2x40x128xi32, #tpu.memory_space<vmem>>, vector<16xi32>,
        tpu.vector_store %arg9[%swap3A_287, %swap3A_288, %swap3A_289], %bitcast3A_285 {strides = array<i32>} : memref<2x40x128xi32, #tpu.memory_space<vmem>>, vector<16xi32>,
        %get3A_291 = arith.constant 0 : i32
        %get3A_292 = arith.index_cast %get3A_291 : i32 to index
        %get3A_293 = arith.index_cast %scan3A_243 : i32 to index
        %get3A_294 = arith.constant 48 : index
        %get3A_295 = tpu.vector_load %arg7[%get3A_292, %get3A_293, %get3A_294] {strides = array<i32>} : memref<2x40x128xf32, #tpu.memory_space<vmem>>, vector<16xf32>,
        %get3A_296 = arith.constant 0 : i32
        %get3A_297 = arith.index_cast %get3A_296 : i32 to index
        %get3A_298 = arith.index_cast %scan3A_243 : i32 to index
        %get3A_299 = arith.constant 48 : index
        %get3A_300 = tpu.vector_load %arg8[%get3A_297, %get3A_298, %get3A_299] {strides = array<i32>} : memref<2x40x128xf32, #tpu.memory_space<vmem>>, vector<16xf32>,
        %pack3A_301 = tpu.pack_subelements %get3A_295, %get3A_300 {pack_format = #tpu.pack_format<interleaved>, positions = array<i32: 0, 1>} : vector<16xf32>, vector<16xf32> -> vector<32xbf16>
        %bitcast3A_302 = vector.bitcast %pack3A_301 : vector<32xbf16> to vector<16xi32>
        %swap3A_303 = arith.constant 0 : i32
        %swap3A_304 = arith.index_cast %swap3A_303 : i32 to index
        %swap3A_305 = arith.index_cast %scan3A_243 : i32 to index
        %swap3A_306 = arith.constant 48 : index
        %swap3A_307 = tpu.vector_load %arg9[%swap3A_304, %swap3A_305, %swap3A_306] {strides = array<i32>} : memref<2x40x128xi32, #tpu.memory_space<vmem>>, vector<16xi32>,
        tpu.vector_store %arg9[%swap3A_304, %swap3A_305, %swap3A_306], %bitcast3A_302 {strides = array<i32>} : memref<2x40x128xi32, #tpu.memory_space<vmem>>, vector<16xi32>,
        %get3A_308 = arith.constant 0 : i32
        %get3A_309 = arith.index_cast %get3A_308 : i32 to index
        %get3A_310 = arith.index_cast %scan3A_243 : i32 to index
        %get3A_311 = arith.constant 64 : index
        %get3A_312 = tpu.vector_load %arg7[%get3A_309, %get3A_310, %get3A_311] {strides = array<i32>} : memref<2x40x128xf32, #tpu.memory_space<vmem>>, vector<16xf32>,
        %get3A_313 = arith.constant 0 : i32
        %get3A_314 = arith.index_cast %get3A_313 : i32 to index
        %get3A_315 = arith.index_cast %scan3A_243 : i32 to index
        %get3A_316 = arith.constant 64 : index
        %get3A_317 = tpu.vector_load %arg8[%get3A_314, %get3A_315, %get3A_316] {strides = array<i32>} : memref<2x40x128xf32, #tpu.memory_space<vmem>>, vector<16xf32>,
        %pack3A_318 = tpu.pack_subelements %get3A_312, %get3A_317 {pack_format = #tpu.pack_format<interleaved>, positions = array<i32: 0, 1>} : vector<16xf32>, vector<16xf32> -> vector<32xbf16>
        %bitcast3A_319 = vector.bitcast %pack3A_318 : vector<32xbf16> to vector<16xi32>
        %swap3A_320 = arith.constant 0 : i32
        %swap3A_321 = arith.index_cast %swap3A_320 : i32 to index
        %swap3A_322 = arith.index_cast %scan3A_243 : i32 to index
        %swap3A_323 = arith.constant 64 : index
        %swap3A_324 = tpu.vector_load %arg9[%swap3A_321, %swap3A_322, %swap3A_323] {strides = array<i32>} : memref<2x40x128xi32, #tpu.memory_space<vmem>>, vector<16xi32>,
        tpu.vector_store %arg9[%swap3A_321, %swap3A_322, %swap3A_323], %bitcast3A_319 {strides = array<i32>} : memref<2x40x128xi32, #tpu.memory_space<vmem>>, vector<16xi32>,
        %get3A_325 = arith.constant 0 : i32
        %get3A_326 = arith.index_cast %get3A_325 : i32 to index
        %get3A_327 = arith.index_cast %scan3A_243 : i32 to index
        %get3A_328 = arith.constant 80 : index
        %get3A_329 = tpu.vector_load %arg7[%get3A_326, %get3A_327, %get3A_328] {strides = array<i32>} : memref<2x40x128xf32, #tpu.memory_space<vmem>>, vector<16xf32>,
        %get3A_330 = arith.constant 0 : i32
        %get3A_331 = arith.index_cast %get3A_330 : i32 to index
        %get3A_332 = arith.index_cast %scan3A_243 : i32 to index
        %get3A_333 = arith.constant 80 : index
        %get3A_334 = tpu.vector_load %arg8[%get3A_331, %get3A_332, %get3A_333] {strides = array<i32>} : memref<2x40x128xf32, #tpu.memory_space<vmem>>, vector<16xf32>,
        %pack3A_335 = tpu.pack_subelements %get3A_329, %get3A_334 {pack_format = #tpu.pack_format<interleaved>, positions = array<i32: 0, 1>} : vector<16xf32>, vector<16xf32> -> vector<32xbf16>
        %bitcast3A_336 = vector.bitcast %pack3A_335 : vector<32xbf16> to vector<16xi32>
        %swap3A_337 = arith.constant 0 : i32
        %swap3A_338 = arith.index_cast %swap3A_337 : i32 to index
        %swap3A_339 = arith.index_cast %scan3A_243 : i32 to index
        %swap3A_340 = arith.constant 80 : index
        %swap3A_341 = tpu.vector_load %arg9[%swap3A_338, %swap3A_339, %swap3A_340] {strides = array<i32>} : memref<2x40x128xi32, #tpu.memory_space<vmem>>, vector<16xi32>,
        tpu.vector_store %arg9[%swap3A_338, %swap3A_339, %swap3A_340], %bitcast3A_336 {strides = array<i32>} : memref<2x40x128xi32, #tpu.memory_space<vmem>>, vector<16xi32>,
        %get3A_342 = arith.constant 0 : i32
        %get3A_343 = arith.index_cast %get3A_342 : i32 to index
        %get3A_344 = arith.index_cast %scan3A_243 : i32 to index
        %get3A_345 = arith.constant 96 : index
        %get3A_346 = tpu.vector_load %arg7[%get3A_343, %get3A_344, %get3A_345] {strides = array<i32>} : memref<2x40x128xf32, #tpu.memory_space<vmem>>, vector<16xf32>,
        %get3A_347 = arith.constant 0 : i32
        %get3A_348 = arith.index_cast %get3A_347 : i32 to index
        %get3A_349 = arith.index_cast %scan3A_243 : i32 to index
        %get3A_350 = arith.constant 96 : index
        %get3A_351 = tpu.vector_load %arg8[%get3A_348, %get3A_349, %get3A_350] {strides = array<i32>} : memref<2x40x128xf32, #tpu.memory_space<vmem>>, vector<16xf32>,
        %pack3A_352 = tpu.pack_subelements %get3A_346, %get3A_351 {pack_format = #tpu.pack_format<interleaved>, positions = array<i32: 0, 1>} : vector<16xf32>, vector<16xf32> -> vector<32xbf16>
        %bitcast3A_353 = vector.bitcast %pack3A_352 : vector<32xbf16> to vector<16xi32>
        %swap3A_354 = arith.constant 0 : i32
        %swap3A_355 = arith.index_cast %swap3A_354 : i32 to index
        %swap3A_356 = arith.index_cast %scan3A_243 : i32 to index
        %swap3A_357 = arith.constant 96 : index
        %swap3A_358 = tpu.vector_load %arg9[%swap3A_355, %swap3A_356, %swap3A_357] {strides = array<i32>} : memref<2x40x128xi32, #tpu.memory_space<vmem>>, vector<16xi32>,
        tpu.vector_store %arg9[%swap3A_355, %swap3A_356, %swap3A_357], %bitcast3A_353 {strides = array<i32>} : memref<2x40x128xi32, #tpu.memory_space<vmem>>, vector<16xi32>,
        %get3A_359 = arith.constant 0 : i32
        %get3A_360 = arith.index_cast %get3A_359 : i32 to index
        %get3A_361 = arith.index_cast %scan3A_243 : i32 to index
        %get3A_362 = arith.constant 112 : index
        %get3A_363 = tpu.vector_load %arg7[%get3A_360, %get3A_361, %get3A_362] {strides = array<i32>} : memref<2x40x128xf32, #tpu.memory_space<vmem>>, vector<16xf32>,
        %get3A_364 = arith.constant 0 : i32
        %get3A_365 = arith.index_cast %get3A_364 : i32 to index
        %get3A_366 = arith.index_cast %scan3A_243 : i32 to index
        %get3A_367 = arith.constant 112 : index
        %get3A_368 = tpu.vector_load %arg8[%get3A_365, %get3A_366, %get3A_367] {strides = array<i32>} : memref<2x40x128xf32, #tpu.memory_space<vmem>>, vector<16xf32>,
        %pack3A_369 = tpu.pack_subelements %get3A_363, %get3A_368 {pack_format = #tpu.pack_format<interleaved>, positions = array<i32: 0, 1>} : vector<16xf32>, vector<16xf32> -> vector<32xbf16>
        %bitcast3A_370 = vector.bitcast %pack3A_369 : vector<32xbf16> to vector<16xi32>
        %swap3A_371 = arith.constant 0 : i32
        %swap3A_372 = arith.index_cast %swap3A_371 : i32 to index
        %swap3A_373 = arith.index_cast %scan3A_243 : i32 to index
        %swap3A_374 = arith.constant 112 : index
        %swap3A_375 = tpu.vector_load %arg9[%swap3A_372, %swap3A_373, %swap3A_374] {strides = array<i32>} : memref<2x40x128xi32, #tpu.memory_space<vmem>>, vector<16xi32>,
        tpu.vector_store %arg9[%swap3A_372, %swap3A_373, %swap3A_374], %bitcast3A_370 {strides = array<i32>} : memref<2x40x128xi32, #tpu.memory_space<vmem>>, vector<16xi32>,
      }
      %scan3A_161 = arith.constant 40 : i32
      %mul3A_162 = arith.constant 40 : i32
      %mul3A_163 = arith.muli %mul3A_134, %mul3A_162 : i32
      %multiple_of3A_164 = tpu.assume_multiple %mul3A_163, 8 : i32
      %add3A_165 = arith.addi %mul3A_2, %multiple_of3A_164 : i32
      %dma_start3A_166 = arith.constant 0 : i32
      %dma_start3A_167 = arith.constant 0 : i32
      %dma_start3A_168 = arith.constant 0 : i32
      %dma_start3A_169 = tpu.memref_slice %arg9[%dma_start3A_166, %dma_start3A_167, %dma_start3A_168] : memref<2x40x128xi32, #tpu.memory_space<vmem>> -> memref<1x40x128xi32, #tpu.memory_space<vmem>>
      %dma_start3A_170 = tpu.memref_squeeze %dma_start3A_169 : memref<1x40x128xi32, #tpu.memory_space<vmem>> -> memref<40x128xi32, #tpu.memory_space<vmem>>
      %dma_start3A_171 = arith.constant 0 : i32
      %dma_start3A_172 = tpu.memref_slice %arg4[%add3A_165, %dma_start3A_171] : memref<160000x128xi32, #tpu.memory_space<hbm>> -> memref<40x128xi32, #tpu.memory_space<hbm>>
      %dma_start3A_173 = arith.constant 0 : i32
      %dma_start3A_174 = tpu.memref_slice %arg4[%add3A_165, %dma_start3A_173] : memref<160000x128xi32, #tpu.memory_space<hbm>> -> memref<40x128xi32, #tpu.memory_space<hbm>>
      %dma_start3A_175 = arith.constant 0 : i32
      %dma_start3A_176 = arith.constant 0 : i32
      %dma_start3A_177 = tpu.memref_slice %arg9[%dma_start3A_166, %dma_start3A_175, %dma_start3A_176] : memref<2x40x128xi32, #tpu.memory_space<vmem>> -> memref<1x40x128xi32, #tpu.memory_space<vmem>>
      %dma_start3A_178 = tpu.memref_squeeze %dma_start3A_177 : memref<1x40x128xi32, #tpu.memory_space<vmem>> -> memref<40x128xi32, #tpu.memory_space<vmem>>
      tpu.enqueue_dma source(%dma_start3A_178 : memref<40x128xi32, #tpu.memory_space<vmem>>) target(%dma_start3A_174 : memref<40x128xi32, #tpu.memory_space<hbm>>) target_semaphore(%arg14 : memref<!tpu.dma_semaphore, #tpu.memory_space<semaphore_mem>>)
      %add3A_179 = arith.constant 2 : i32
      %add3A_180 = arith.addi %mul3A_134, %add3A_179 : i32
      %lt3A = arith.constant 125 : i32
      %lt3A_181 = arith.cmpi slt, %add3A_180, %lt3A : i32
      %convert_element_type3A_182 = arith.extui %lt3A_181 : i1 to i32
      %cond3A_183 = arith.constant 0 : i32
      %cond3A_184 = arith.cmpi ne, %convert_element_type3A_182, %cond3A_183 : i32
      scf.if %cond3A_184 {
        %mul3A_243 = arith.constant 40 : i32
        %mul3A_244 = arith.muli %add3A_180, %mul3A_243 : i32
        %multiple_of3A_245 = tpu.assume_multiple %mul3A_244, 8 : i32
        %dma_start3A_246 = arith.constant 0 : i32
        %dma_start3A_247 = arith.constant 0 : i32
        %dma_start3A_248 = arith.constant 0 : i32
        %dma_start3A_249 = tpu.memref_slice %arg7[%dma_start3A_246, %dma_start3A_247, %dma_start3A_248] : memref<2x40x128xf32, #tpu.memory_space<vmem>> -> memref<1x40x128xf32, #tpu.memory_space<vmem>>
        %dma_start3A_250 = tpu.memref_squeeze %dma_start3A_249 : memref<1x40x128xf32, #tpu.memory_space<vmem>> -> memref<40x128xf32, #tpu.memory_space<vmem>>
        %dma_start3A_251 = tpu.memref_slice %arg5[%multiple_of3A_245] : memref<5000xi32, #tpu.memory_space<vmem>> -> memref<40xi32, #tpu.memory_space<vmem>>
        %dma_start3A_252 = arith.constant 0 : i32
        %dma_start3A_253 = arith.constant 0 : i32
        %dma_start3A_254 = tpu.memref_slice %arg2[%dma_start3A_252, %dma_start3A_253] : memref<10000x128xf32, #tpu.memory_space<hbm>> -> memref<10000x128xf32, #tpu.memory_space<hbm>>
        tpu.enqueue_indirect_dma source(%dma_start3A_254 : memref<10000x128xf32, #tpu.memory_space<hbm>>) target(%dma_start3A_250 : memref<40x128xf32, #tpu.memory_space<vmem>>) offsets(%dma_start3A_251 : memref<40xi32, #tpu.memory_space<vmem>>) semaphore(%arg10 : memref<!tpu.dma_semaphore, #tpu.memory_space<semaphore_mem>>)
        %dma_start3A_255 = arith.constant 0 : i32
        %dma_start3A_256 = arith.constant 0 : i32
        %dma_start3A_257 = arith.constant 0 : i32
        %dma_start3A_258 = tpu.memref_slice %arg8[%dma_start3A_255, %dma_start3A_256, %dma_start3A_257] : memref<2x40x128xf32, #tpu.memory_space<vmem>> -> memref<1x40x128xf32, #tpu.memory_space<vmem>>
        %dma_start3A_259 = tpu.memref_squeeze %dma_start3A_258 : memref<1x40x128xf32, #tpu.memory_space<vmem>> -> memref<40x128xf32, #tpu.memory_space<vmem>>
        %dma_start3A_260 = tpu.memref_slice %arg6[%multiple_of3A_245] : memref<5000xi32, #tpu.memory_space<vmem>> -> memref<40xi32, #tpu.memory_space<vmem>>
        %dma_start3A_261 = arith.constant 0 : i32
        %dma_start3A_262 = arith.constant 0 : i32
        %dma_start3A_263 = tpu.memref_slice %arg2[%dma_start3A_261, %dma_start3A_262] : memref<10000x128xf32, #tpu.memory_space<hbm>> -> memref<10000x128xf32, #tpu.memory_space<hbm>>
        tpu.enqueue_indirect_dma source(%dma_start3A_263 : memref<10000x128xf32, #tpu.memory_space<hbm>>) target(%dma_start3A_259 : memref<40x128xf32, #tpu.memory_space<vmem>>) offsets(%dma_start3A_260 : memref<40xi32, #tpu.memory_space<vmem>>) semaphore(%arg12 : memref<!tpu.dma_semaphore, #tpu.memory_space<semaphore_mem>>)
      } else {
      }
      %mul3A_185 = arith.constant 2 : i32
      %mul3A_186 = arith.muli %mul3A_185, %scan3A_132 : i32
      %add3A_187 = arith.constant 1 : i32
      %add3A_188 = arith.addi %mul3A_186, %add3A_187 : i32
      %ge3A_189 = arith.constant 2 : i32
      %ge3A_190 = arith.cmpi sge, %add3A_188, %ge3A_189 : i32
      %convert_element_type3A_191 = arith.extui %ge3A_190 : i1 to i32
      %cond3A_192 = arith.constant 0 : i32
      %cond3A_193 = arith.cmpi ne, %convert_element_type3A_191, %cond3A_192 : i32
      scf.if %cond3A_193 {
        %dma_wait3A_243 = arith.constant 1 : i32
        %dma_wait3A_244 = arith.constant 0 : i32
        %dma_wait3A_245 = arith.constant 0 : i32
        %dma_wait3A_246 = tpu.memref_slice %arg9[%dma_wait3A_243, %dma_wait3A_244, %dma_wait3A_245] : memref<2x40x128xi32, #tpu.memory_space<vmem>> -> memref<1x40x128xi32, #tpu.memory_space<vmem>>
        %dma_wait3A_247 = tpu.memref_squeeze %dma_wait3A_246 : memref<1x40x128xi32, #tpu.memory_space<vmem>> -> memref<40x128xi32, #tpu.memory_space<vmem>>
        %dma_wait3A_248 = arith.constant 0 : i32
        %dma_wait3A_249 = arith.constant 0 : i32
        %dma_wait3A_250 = tpu.memref_slice %arg4[%dma_wait3A_248, %dma_wait3A_249] : memref<160000x128xi32, #tpu.memory_space<hbm>> -> memref<40x128xi32, #tpu.memory_space<hbm>>
        %dma_wait3A_251 = arith.constant 0 : i32
        %dma_wait3A_252 = arith.constant 0 : i32
        %dma_wait3A_253 = tpu.memref_slice %arg4[%dma_wait3A_251, %dma_wait3A_252] : memref<160000x128xi32, #tpu.memory_space<hbm>> -> memref<40x128xi32, #tpu.memory_space<hbm>>
        %dma_wait3A_254 = arith.constant 0 : i32
        %dma_wait3A_255 = arith.constant 0 : i32
        %dma_wait3A_256 = tpu.memref_slice %arg9[%dma_wait3A_243, %dma_wait3A_254, %dma_wait3A_255] : memref<2x40x128xi32, #tpu.memory_space<vmem>> -> memref<1x40x128xi32, #tpu.memory_space<vmem>>
        %dma_wait3A_257 = tpu.memref_squeeze %dma_wait3A_256 : memref<1x40x128xi32, #tpu.memory_space<vmem>> -> memref<40x128xi32, #tpu.memory_space<vmem>>
        tpu.wait_dma2 semaphore(%arg15 : memref<!tpu.dma_semaphore, #tpu.memory_space<semaphore_mem>>) src(%dma_wait3A_257 : memref<40x128xi32, #tpu.memory_space<vmem>>) dst(%dma_wait3A_253 : memref<40x128xi32, #tpu.memory_space<hbm>>)
      } else {
      }
      %dma_wait3A_194 = arith.constant 1 : i32
      %dma_wait3A_195 = arith.constant 0 : i32
      %dma_wait3A_196 = arith.constant 0 : i32
      %dma_wait3A_197 = tpu.memref_slice %arg7[%dma_wait3A_194, %dma_wait3A_195, %dma_wait3A_196] : memref<2x40x128xf32, #tpu.memory_space<vmem>> -> memref<1x40x128xf32, #tpu.memory_space<vmem>>
      %dma_wait3A_198 = tpu.memref_squeeze %dma_wait3A_197 : memref<1x40x128xf32, #tpu.memory_space<vmem>> -> memref<40x128xf32, #tpu.memory_space<vmem>>
      %dma_wait3A_199 = arith.constant 0 : i32
      %dma_wait3A_200 = tpu.memref_slice %arg5[%dma_wait3A_199] : memref<5000xi32, #tpu.memory_space<vmem>> -> memref<40xi32, #tpu.memory_space<vmem>>
      %dma_wait3A_201 = arith.constant 0 : i32
      %dma_wait3A_202 = arith.constant 0 : i32
      %dma_wait3A_203 = tpu.memref_slice %arg2[%dma_wait3A_201, %dma_wait3A_202] : memref<10000x128xf32, #tpu.memory_space<hbm>> -> memref<10000x128xf32, #tpu.memory_space<hbm>>
      tpu.wait_indirect_dma semaphore(%arg11 : memref<!tpu.dma_semaphore, #tpu.memory_space<semaphore_mem>>) src(%dma_wait3A_203 : memref<10000x128xf32, #tpu.memory_space<hbm>>) dst(%dma_wait3A_198 : memref<40x128xf32, #tpu.memory_space<vmem>>)
      %dma_wait3A_204 = arith.constant 1 : i32
      %dma_wait3A_205 = arith.constant 0 : i32
      %dma_wait3A_206 = arith.constant 0 : i32
      %dma_wait3A_207 = tpu.memref_slice %arg8[%dma_wait3A_204, %dma_wait3A_205, %dma_wait3A_206] : memref<2x40x128xf32, #tpu.memory_space<vmem>> -> memref<1x40x128xf32, #tpu.memory_space<vmem>>
      %dma_wait3A_208 = tpu.memref_squeeze %dma_wait3A_207 : memref<1x40x128xf32, #tpu.memory_space<vmem>> -> memref<40x128xf32, #tpu.memory_space<vmem>>
      %dma_wait3A_209 = arith.constant 0 : i32
      %dma_wait3A_210 = tpu.memref_slice %arg6[%dma_wait3A_209] : memref<5000xi32, #tpu.memory_space<vmem>> -> memref<40xi32, #tpu.memory_space<vmem>>
      %dma_wait3A_211 = arith.constant 0 : i32
      %dma_wait3A_212 = arith.constant 0 : i32
      %dma_wait3A_213 = tpu.memref_slice %arg2[%dma_wait3A_211, %dma_wait3A_212] : memref<10000x128xf32, #tpu.memory_space<hbm>> -> memref<10000x128xf32, #tpu.memory_space<hbm>>
      tpu.wait_indirect_dma semaphore(%arg13 : memref<!tpu.dma_semaphore, #tpu.memory_space<semaphore_mem>>) src(%dma_wait3A_213 : memref<10000x128xf32, #tpu.memory_space<hbm>>) dst(%dma_wait3A_208 : memref<40x128xf32, #tpu.memory_space<vmem>>)
      %scan3A_214 = arith.constant 0 : i32
      %scan3A_215 = arith.constant 40 : i32
      %scan3A_216 = arith.addi %scan3A_214, %scan3A_215 : i32
      %scan3A_217 = arith.constant 1 : i32
      scf.for %scan3A_243 = %scan3A_214 to %scan3A_216 step %scan3A_217  : i32 {
        %get3A = arith.constant 1 : i32
        %get3A_244 = arith.index_cast %get3A : i32 to index
        %get3A_245 = arith.index_cast %scan3A_243 : i32 to index
        %get3A_246 = arith.constant 0 : index
        %get3A_247 = tpu.vector_load %arg7[%get3A_244, %get3A_245, %get3A_246] {strides = array<i32>} : memref<2x40x128xf32, #tpu.memory_space<vmem>>, vector<16xf32>,
        %get3A_248 = arith.constant 1 : i32
        %get3A_249 = arith.index_cast %get3A_248 : i32 to index
        %get3A_250 = arith.index_cast %scan3A_243 : i32 to index
        %get3A_251 = arith.constant 0 : index
        %get3A_252 = tpu.vector_load %arg8[%get3A_249, %get3A_250, %get3A_251] {strides = array<i32>} : memref<2x40x128xf32, #tpu.memory_space<vmem>>, vector<16xf32>,
        %pack3A = tpu.pack_subelements %get3A_247, %get3A_252 {pack_format = #tpu.pack_format<interleaved>, positions = array<i32: 0, 1>} : vector<16xf32>, vector<16xf32> -> vector<32xbf16>
        %bitcast3A = vector.bitcast %pack3A : vector<32xbf16> to vector<16xi32>
        %swap3A = arith.constant 1 : i32
        %swap3A_253 = arith.index_cast %swap3A : i32 to index
        %swap3A_254 = arith.index_cast %scan3A_243 : i32 to index
        %swap3A_255 = arith.constant 0 : index
        %swap3A_256 = tpu.vector_load %arg9[%swap3A_253, %swap3A_254, %swap3A_255] {strides = array<i32>} : memref<2x40x128xi32, #tpu.memory_space<vmem>>, vector<16xi32>,
        tpu.vector_store %arg9[%swap3A_253, %swap3A_254, %swap3A_255], %bitcast3A {strides = array<i32>} : memref<2x40x128xi32, #tpu.memory_space<vmem>>, vector<16xi32>,
        %get3A_257 = arith.constant 1 : i32
        %get3A_258 = arith.index_cast %get3A_257 : i32 to index
        %get3A_259 = arith.index_cast %scan3A_243 : i32 to index
        %get3A_260 = arith.constant 16 : index
        %get3A_261 = tpu.vector_load %arg7[%get3A_258, %get3A_259, %get3A_260] {strides = array<i32>} : memref<2x40x128xf32, #tpu.memory_space<vmem>>, vector<16xf32>,
        %get3A_262 = arith.constant 1 : i32
        %get3A_263 = arith.index_cast %get3A_262 : i32 to index
        %get3A_264 = arith.index_cast %scan3A_243 : i32 to index
        %get3A_265 = arith.constant 16 : index
        %get3A_266 = tpu.vector_load %arg8[%get3A_263, %get3A_264, %get3A_265] {strides = array<i32>} : memref<2x40x128xf32, #tpu.memory_space<vmem>>, vector<16xf32>,
        %pack3A_267 = tpu.pack_subelements %get3A_261, %get3A_266 {pack_format = #tpu.pack_format<interleaved>, positions = array<i32: 0, 1>} : vector<16xf32>, vector<16xf32> -> vector<32xbf16>
        %bitcast3A_268 = vector.bitcast %pack3A_267 : vector<32xbf16> to vector<16xi32>
        %swap3A_269 = arith.constant 1 : i32
        %swap3A_270 = arith.index_cast %swap3A_269 : i32 to index
        %swap3A_271 = arith.index_cast %scan3A_243 : i32 to index
        %swap3A_272 = arith.constant 16 : index
        %swap3A_273 = tpu.vector_load %arg9[%swap3A_270, %swap3A_271, %swap3A_272] {strides = array<i32>} : memref<2x40x128xi32, #tpu.memory_space<vmem>>, vector<16xi32>,
        tpu.vector_store %arg9[%swap3A_270, %swap3A_271, %swap3A_272], %bitcast3A_268 {strides = array<i32>} : memref<2x40x128xi32, #tpu.memory_space<vmem>>, vector<16xi32>,
        %get3A_274 = arith.constant 1 : i32
        %get3A_275 = arith.index_cast %get3A_274 : i32 to index
        %get3A_276 = arith.index_cast %scan3A_243 : i32 to index
        %get3A_277 = arith.constant 32 : index
        %get3A_278 = tpu.vector_load %arg7[%get3A_275, %get3A_276, %get3A_277] {strides = array<i32>} : memref<2x40x128xf32, #tpu.memory_space<vmem>>, vector<16xf32>,
        %get3A_279 = arith.constant 1 : i32
        %get3A_280 = arith.index_cast %get3A_279 : i32 to index
        %get3A_281 = arith.index_cast %scan3A_243 : i32 to index
        %get3A_282 = arith.constant 32 : index
        %get3A_283 = tpu.vector_load %arg8[%get3A_280, %get3A_281, %get3A_282] {strides = array<i32>} : memref<2x40x128xf32, #tpu.memory_space<vmem>>, vector<16xf32>,
        %pack3A_284 = tpu.pack_subelements %get3A_278, %get3A_283 {pack_format = #tpu.pack_format<interleaved>, positions = array<i32: 0, 1>} : vector<16xf32>, vector<16xf32> -> vector<32xbf16>
        %bitcast3A_285 = vector.bitcast %pack3A_284 : vector<32xbf16> to vector<16xi32>
        %swap3A_286 = arith.constant 1 : i32
        %swap3A_287 = arith.index_cast %swap3A_286 : i32 to index
        %swap3A_288 = arith.index_cast %scan3A_243 : i32 to index
        %swap3A_289 = arith.constant 32 : index
        %swap3A_290 = tpu.vector_load %arg9[%swap3A_287, %swap3A_288, %swap3A_289] {strides = array<i32>} : memref<2x40x128xi32, #tpu.memory_space<vmem>>, vector<16xi32>,
        tpu.vector_store %arg9[%swap3A_287, %swap3A_288, %swap3A_289], %bitcast3A_285 {strides = array<i32>} : memref<2x40x128xi32, #tpu.memory_space<vmem>>, vector<16xi32>,
        %get3A_291 = arith.constant 1 : i32
        %get3A_292 = arith.index_cast %get3A_291 : i32 to index
        %get3A_293 = arith.index_cast %scan3A_243 : i32 to index
        %get3A_294 = arith.constant 48 : index
        %get3A_295 = tpu.vector_load %arg7[%get3A_292, %get3A_293, %get3A_294] {strides = array<i32>} : memref<2x40x128xf32, #tpu.memory_space<vmem>>, vector<16xf32>,
        %get3A_296 = arith.constant 1 : i32
        %get3A_297 = arith.index_cast %get3A_296 : i32 to index
        %get3A_298 = arith.index_cast %scan3A_243 : i32 to index
        %get3A_299 = arith.constant 48 : index
        %get3A_300 = tpu.vector_load %arg8[%get3A_297, %get3A_298, %get3A_299] {strides = array<i32>} : memref<2x40x128xf32, #tpu.memory_space<vmem>>, vector<16xf32>,
        %pack3A_301 = tpu.pack_subelements %get3A_295, %get3A_300 {pack_format = #tpu.pack_format<interleaved>, positions = array<i32: 0, 1>} : vector<16xf32>, vector<16xf32> -> vector<32xbf16>
        %bitcast3A_302 = vector.bitcast %pack3A_301 : vector<32xbf16> to vector<16xi32>
        %swap3A_303 = arith.constant 1 : i32
        %swap3A_304 = arith.index_cast %swap3A_303 : i32 to index
        %swap3A_305 = arith.index_cast %scan3A_243 : i32 to index
        %swap3A_306 = arith.constant 48 : index
        %swap3A_307 = tpu.vector_load %arg9[%swap3A_304, %swap3A_305, %swap3A_306] {strides = array<i32>} : memref<2x40x128xi32, #tpu.memory_space<vmem>>, vector<16xi32>,
        tpu.vector_store %arg9[%swap3A_304, %swap3A_305, %swap3A_306], %bitcast3A_302 {strides = array<i32>} : memref<2x40x128xi32, #tpu.memory_space<vmem>>, vector<16xi32>,
        %get3A_308 = arith.constant 1 : i32
        %get3A_309 = arith.index_cast %get3A_308 : i32 to index
        %get3A_310 = arith.index_cast %scan3A_243 : i32 to index
        %get3A_311 = arith.constant 64 : index
        %get3A_312 = tpu.vector_load %arg7[%get3A_309, %get3A_310, %get3A_311] {strides = array<i32>} : memref<2x40x128xf32, #tpu.memory_space<vmem>>, vector<16xf32>,
        %get3A_313 = arith.constant 1 : i32
        %get3A_314 = arith.index_cast %get3A_313 : i32 to index
        %get3A_315 = arith.index_cast %scan3A_243 : i32 to index
        %get3A_316 = arith.constant 64 : index
        %get3A_317 = tpu.vector_load %arg8[%get3A_314, %get3A_315, %get3A_316] {strides = array<i32>} : memref<2x40x128xf32, #tpu.memory_space<vmem>>, vector<16xf32>,
        %pack3A_318 = tpu.pack_subelements %get3A_312, %get3A_317 {pack_format = #tpu.pack_format<interleaved>, positions = array<i32: 0, 1>} : vector<16xf32>, vector<16xf32> -> vector<32xbf16>
        %bitcast3A_319 = vector.bitcast %pack3A_318 : vector<32xbf16> to vector<16xi32>
        %swap3A_320 = arith.constant 1 : i32
        %swap3A_321 = arith.index_cast %swap3A_320 : i32 to index
        %swap3A_322 = arith.index_cast %scan3A_243 : i32 to index
        %swap3A_323 = arith.constant 64 : index
        %swap3A_324 = tpu.vector_load %arg9[%swap3A_321, %swap3A_322, %swap3A_323] {strides = array<i32>} : memref<2x40x128xi32, #tpu.memory_space<vmem>>, vector<16xi32>,
        tpu.vector_store %arg9[%swap3A_321, %swap3A_322, %swap3A_323], %bitcast3A_319 {strides = array<i32>} : memref<2x40x128xi32, #tpu.memory_space<vmem>>, vector<16xi32>,
        %get3A_325 = arith.constant 1 : i32
        %get3A_326 = arith.index_cast %get3A_325 : i32 to index
        %get3A_327 = arith.index_cast %scan3A_243 : i32 to index
        %get3A_328 = arith.constant 80 : index
        %get3A_329 = tpu.vector_load %arg7[%get3A_326, %get3A_327, %get3A_328] {strides = array<i32>} : memref<2x40x128xf32, #tpu.memory_space<vmem>>, vector<16xf32>,
        %get3A_330 = arith.constant 1 : i32
        %get3A_331 = arith.index_cast %get3A_330 : i32 to index
        %get3A_332 = arith.index_cast %scan3A_243 : i32 to index
        %get3A_333 = arith.constant 80 : index
        %get3A_334 = tpu.vector_load %arg8[%get3A_331, %get3A_332, %get3A_333] {strides = array<i32>} : memref<2x40x128xf32, #tpu.memory_space<vmem>>, vector<16xf32>,
        %pack3A_335 = tpu.pack_subelements %get3A_329, %get3A_334 {pack_format = #tpu.pack_format<interleaved>, positions = array<i32: 0, 1>} : vector<16xf32>, vector<16xf32> -> vector<32xbf16>
        %bitcast3A_336 = vector.bitcast %pack3A_335 : vector<32xbf16> to vector<16xi32>
        %swap3A_337 = arith.constant 1 : i32
        %swap3A_338 = arith.index_cast %swap3A_337 : i32 to index
        %swap3A_339 = arith.index_cast %scan3A_243 : i32 to index
        %swap3A_340 = arith.constant 80 : index
        %swap3A_341 = tpu.vector_load %arg9[%swap3A_338, %swap3A_339, %swap3A_340] {strides = array<i32>} : memref<2x40x128xi32, #tpu.memory_space<vmem>>, vector<16xi32>,
        tpu.vector_store %arg9[%swap3A_338, %swap3A_339, %swap3A_340], %bitcast3A_336 {strides = array<i32>} : memref<2x40x128xi32, #tpu.memory_space<vmem>>, vector<16xi32>,
        %get3A_342 = arith.constant 1 : i32
        %get3A_343 = arith.index_cast %get3A_342 : i32 to index
        %get3A_344 = arith.index_cast %scan3A_243 : i32 to index
        %get3A_345 = arith.constant 96 : index
        %get3A_346 = tpu.vector_load %arg7[%get3A_343, %get3A_344, %get3A_345] {strides = array<i32>} : memref<2x40x128xf32, #tpu.memory_space<vmem>>, vector<16xf32>,
        %get3A_347 = arith.constant 1 : i32
        %get3A_348 = arith.index_cast %get3A_347 : i32 to index
        %get3A_349 = arith.index_cast %scan3A_243 : i32 to index
        %get3A_350 = arith.constant 96 : index
        %get3A_351 = tpu.vector_load %arg8[%get3A_348, %get3A_349, %get3A_350] {strides = array<i32>} : memref<2x40x128xf32, #tpu.memory_space<vmem>>, vector<16xf32>,
        %pack3A_352 = tpu.pack_subelements %get3A_346, %get3A_351 {pack_format = #tpu.pack_format<interleaved>, positions = array<i32: 0, 1>} : vector<16xf32>, vector<16xf32> -> vector<32xbf16>
        %bitcast3A_353 = vector.bitcast %pack3A_352 : vector<32xbf16> to vector<16xi32>
        %swap3A_354 = arith.constant 1 : i32
        %swap3A_355 = arith.index_cast %swap3A_354 : i32 to index
        %swap3A_356 = arith.index_cast %scan3A_243 : i32 to index
        %swap3A_357 = arith.constant 96 : index
        %swap3A_358 = tpu.vector_load %arg9[%swap3A_355, %swap3A_356, %swap3A_357] {strides = array<i32>} : memref<2x40x128xi32, #tpu.memory_space<vmem>>, vector<16xi32>,
        tpu.vector_store %arg9[%swap3A_355, %swap3A_356, %swap3A_357], %bitcast3A_353 {strides = array<i32>} : memref<2x40x128xi32, #tpu.memory_space<vmem>>, vector<16xi32>,
        %get3A_359 = arith.constant 1 : i32
        %get3A_360 = arith.index_cast %get3A_359 : i32 to index
        %get3A_361 = arith.index_cast %scan3A_243 : i32 to index
        %get3A_362 = arith.constant 112 : index
        %get3A_363 = tpu.vector_load %arg7[%get3A_360, %get3A_361, %get3A_362] {strides = array<i32>} : memref<2x40x128xf32, #tpu.memory_space<vmem>>, vector<16xf32>,
        %get3A_364 = arith.constant 1 : i32
        %get3A_365 = arith.index_cast %get3A_364 : i32 to index
        %get3A_366 = arith.index_cast %scan3A_243 : i32 to index
        %get3A_367 = arith.constant 112 : index
        %get3A_368 = tpu.vector_load %arg8[%get3A_365, %get3A_366, %get3A_367] {strides = array<i32>} : memref<2x40x128xf32, #tpu.memory_space<vmem>>, vector<16xf32>,
        %pack3A_369 = tpu.pack_subelements %get3A_363, %get3A_368 {pack_format = #tpu.pack_format<interleaved>, positions = array<i32: 0, 1>} : vector<16xf32>, vector<16xf32> -> vector<32xbf16>
        %bitcast3A_370 = vector.bitcast %pack3A_369 : vector<32xbf16> to vector<16xi32>
        %swap3A_371 = arith.constant 1 : i32
        %swap3A_372 = arith.index_cast %swap3A_371 : i32 to index
        %swap3A_373 = arith.index_cast %scan3A_243 : i32 to index
        %swap3A_374 = arith.constant 112 : index
        %swap3A_375 = tpu.vector_load %arg9[%swap3A_372, %swap3A_373, %swap3A_374] {strides = array<i32>} : memref<2x40x128xi32, #tpu.memory_space<vmem>>, vector<16xi32>,
        tpu.vector_store %arg9[%swap3A_372, %swap3A_373, %swap3A_374], %bitcast3A_370 {strides = array<i32>} : memref<2x40x128xi32, #tpu.memory_space<vmem>>, vector<16xi32>,
      }
      %scan3A_218 = arith.constant 40 : i32
      %mul3A_219 = arith.constant 40 : i32
      %mul3A_220 = arith.muli %add3A_188, %mul3A_219 : i32
      %multiple_of3A_221 = tpu.assume_multiple %mul3A_220, 8 : i32
      %add3A_222 = arith.addi %mul3A_2, %multiple_of3A_221 : i32
      %dma_start3A_223 = arith.constant 1 : i32
      %dma_start3A_224 = arith.constant 0 : i32
      %dma_start3A_225 = arith.constant 0 : i32
      %dma_start3A_226 = tpu.memref_slice %arg9[%dma_start3A_223, %dma_start3A_224, %dma_start3A_225] : memref<2x40x128xi32, #tpu.memory_space<vmem>> -> memref<1x40x128xi32, #tpu.memory_space<vmem>>
      %dma_start3A_227 = tpu.memref_squeeze %dma_start3A_226 : memref<1x40x128xi32, #tpu.memory_space<vmem>> -> memref<40x128xi32, #tpu.memory_space<vmem>>
      %dma_start3A_228 = arith.constant 0 : i32
      %dma_start3A_229 = tpu.memref_slice %arg4[%add3A_222, %dma_start3A_228] : memref<160000x128xi32, #tpu.memory_space<hbm>> -> memref<40x128xi32, #tpu.memory_space<hbm>>
      %dma_start3A_230 = arith.constant 0 : i32
      %dma_start3A_231 = tpu.memref_slice %arg4[%add3A_222, %dma_start3A_230] : memref<160000x128xi32, #tpu.memory_space<hbm>> -> memref<40x128xi32, #tpu.memory_space<hbm>>
      %dma_start3A_232 = arith.constant 0 : i32
      %dma_start3A_233 = arith.constant 0 : i32
      %dma_start3A_234 = tpu.memref_slice %arg9[%dma_start3A_223, %dma_start3A_232, %dma_start3A_233] : memref<2x40x128xi32, #tpu.memory_space<vmem>> -> memref<1x40x128xi32, #tpu.memory_space<vmem>>
      %dma_start3A_235 = tpu.memref_squeeze %dma_start3A_234 : memref<1x40x128xi32, #tpu.memory_space<vmem>> -> memref<40x128xi32, #tpu.memory_space<vmem>>
      tpu.enqueue_dma source(%dma_start3A_235 : memref<40x128xi32, #tpu.memory_space<vmem>>) target(%dma_start3A_231 : memref<40x128xi32, #tpu.memory_space<hbm>>) target_semaphore(%arg15 : memref<!tpu.dma_semaphore, #tpu.memory_space<semaphore_mem>>)
      %add3A_236 = arith.constant 2 : i32
      %add3A_237 = arith.addi %add3A_188, %add3A_236 : i32
      %lt3A_238 = arith.constant 125 : i32
      %lt3A_239 = arith.cmpi slt, %add3A_237, %lt3A_238 : i32
      %convert_element_type3A_240 = arith.extui %lt3A_239 : i1 to i32
      %cond3A_241 = arith.constant 0 : i32
      %cond3A_242 = arith.cmpi ne, %convert_element_type3A_240, %cond3A_241 : i32
      scf.if %cond3A_242 {
        %mul3A_243 = arith.constant 40 : i32
        %mul3A_244 = arith.muli %add3A_237, %mul3A_243 : i32
        %multiple_of3A_245 = tpu.assume_multiple %mul3A_244, 8 : i32
        %dma_start3A_246 = arith.constant 1 : i32
        %dma_start3A_247 = arith.constant 0 : i32
        %dma_start3A_248 = arith.constant 0 : i32
        %dma_start3A_249 = tpu.memref_slice %arg7[%dma_start3A_246, %dma_start3A_247, %dma_start3A_248] : memref<2x40x128xf32, #tpu.memory_space<vmem>> -> memref<1x40x128xf32, #tpu.memory_space<vmem>>
        %dma_start3A_250 = tpu.memref_squeeze %dma_start3A_249 : memref<1x40x128xf32, #tpu.memory_space<vmem>> -> memref<40x128xf32, #tpu.memory_space<vmem>>
        %dma_start3A_251 = tpu.memref_slice %arg5[%multiple_of3A_245] : memref<5000xi32, #tpu.memory_space<vmem>> -> memref<40xi32, #tpu.memory_space<vmem>>
        %dma_start3A_252 = arith.constant 0 : i32
        %dma_start3A_253 = arith.constant 0 : i32
        %dma_start3A_254 = tpu.memref_slice %arg2[%dma_start3A_252, %dma_start3A_253] : memref<10000x128xf32, #tpu.memory_space<hbm>> -> memref<10000x128xf32, #tpu.memory_space<hbm>>
        tpu.enqueue_indirect_dma source(%dma_start3A_254 : memref<10000x128xf32, #tpu.memory_space<hbm>>) target(%dma_start3A_250 : memref<40x128xf32, #tpu.memory_space<vmem>>) offsets(%dma_start3A_251 : memref<40xi32, #tpu.memory_space<vmem>>) semaphore(%arg11 : memref<!tpu.dma_semaphore, #tpu.memory_space<semaphore_mem>>)
        %dma_start3A_255 = arith.constant 1 : i32
        %dma_start3A_256 = arith.constant 0 : i32
        %dma_start3A_257 = arith.constant 0 : i32
        %dma_start3A_258 = tpu.memref_slice %arg8[%dma_start3A_255, %dma_start3A_256, %dma_start3A_257] : memref<2x40x128xf32, #tpu.memory_space<vmem>> -> memref<1x40x128xf32, #tpu.memory_space<vmem>>
        %dma_start3A_259 = tpu.memref_squeeze %dma_start3A_258 : memref<1x40x128xf32, #tpu.memory_space<vmem>> -> memref<40x128xf32, #tpu.memory_space<vmem>>
        %dma_start3A_260 = tpu.memref_slice %arg6[%multiple_of3A_245] : memref<5000xi32, #tpu.memory_space<vmem>> -> memref<40xi32, #tpu.memory_space<vmem>>
        %dma_start3A_261 = arith.constant 0 : i32
        %dma_start3A_262 = arith.constant 0 : i32
        %dma_start3A_263 = tpu.memref_slice %arg2[%dma_start3A_261, %dma_start3A_262] : memref<10000x128xf32, #tpu.memory_space<hbm>> -> memref<10000x128xf32, #tpu.memory_space<hbm>>
        tpu.enqueue_indirect_dma source(%dma_start3A_263 : memref<10000x128xf32, #tpu.memory_space<hbm>>) target(%dma_start3A_259 : memref<40x128xf32, #tpu.memory_space<vmem>>) offsets(%dma_start3A_260 : memref<40xi32, #tpu.memory_space<vmem>>) semaphore(%arg13 : memref<!tpu.dma_semaphore, #tpu.memory_space<semaphore_mem>>)
      } else {
      }
    }
    %scan3A_46 = arith.constant 62 : i32
    %dma_wait3A = arith.constant 0 : i32
    %dma_wait3A_47 = arith.constant 0 : i32
    %dma_wait3A_48 = arith.constant 0 : i32
    %dma_wait3A_49 = tpu.memref_slice %arg9[%dma_wait3A, %dma_wait3A_47, %dma_wait3A_48] : memref<2x40x128xi32, #tpu.memory_space<vmem>> -> memref<1x40x128xi32, #tpu.memory_space<vmem>>
    %dma_wait3A_50 = tpu.memref_squeeze %dma_wait3A_49 : memref<1x40x128xi32, #tpu.memory_space<vmem>> -> memref<40x128xi32, #tpu.memory_space<vmem>>
    %dma_wait3A_51 = arith.constant 0 : i32
    %dma_wait3A_52 = arith.constant 0 : i32
    %dma_wait3A_53 = tpu.memref_slice %arg4[%dma_wait3A_51, %dma_wait3A_52] : memref<160000x128xi32, #tpu.memory_space<hbm>> -> memref<40x128xi32, #tpu.memory_space<hbm>>
    %dma_wait3A_54 = arith.constant 0 : i32
    %dma_wait3A_55 = arith.constant 0 : i32
    %dma_wait3A_56 = tpu.memref_slice %arg4[%dma_wait3A_54, %dma_wait3A_55] : memref<160000x128xi32, #tpu.memory_space<hbm>> -> memref<40x128xi32, #tpu.memory_space<hbm>>
    %dma_wait3A_57 = arith.constant 0 : i32
    %dma_wait3A_58 = arith.constant 0 : i32
    %dma_wait3A_59 = tpu.memref_slice %arg9[%dma_wait3A, %dma_wait3A_57, %dma_wait3A_58] : memref<2x40x128xi32, #tpu.memory_space<vmem>> -> memref<1x40x128xi32, #tpu.memory_space<vmem>>
    %dma_wait3A_60 = tpu.memref_squeeze %dma_wait3A_59 : memref<1x40x128xi32, #tpu.memory_space<vmem>> -> memref<40x128xi32, #tpu.memory_space<vmem>>
    tpu.wait_dma2 semaphore(%arg14 : memref<!tpu.dma_semaphore, #tpu.memory_space<semaphore_mem>>) src(%dma_wait3A_60 : memref<40x128xi32, #tpu.memory_space<vmem>>) dst(%dma_wait3A_56 : memref<40x128xi32, #tpu.memory_space<hbm>>)
    %dma_wait3A_61 = arith.constant 0 : i32
    %dma_wait3A_62 = arith.constant 0 : i32
    %dma_wait3A_63 = arith.constant 0 : i32
    %dma_wait3A_64 = tpu.memref_slice %arg7[%dma_wait3A_61, %dma_wait3A_62, %dma_wait3A_63] : memref<2x40x128xf32, #tpu.memory_space<vmem>> -> memref<1x40x128xf32, #tpu.memory_space<vmem>>
    %dma_wait3A_65 = tpu.memref_squeeze %dma_wait3A_64 : memref<1x40x128xf32, #tpu.memory_space<vmem>> -> memref<40x128xf32, #tpu.memory_space<vmem>>
    %dma_wait3A_66 = arith.constant 0 : i32
    %dma_wait3A_67 = tpu.memref_slice %arg5[%dma_wait3A_66] : memref<5000xi32, #tpu.memory_space<vmem>> -> memref<40xi32, #tpu.memory_space<vmem>>
    %dma_wait3A_68 = arith.constant 0 : i32
    %dma_wait3A_69 = arith.constant 0 : i32
    %dma_wait3A_70 = tpu.memref_slice %arg2[%dma_wait3A_68, %dma_wait3A_69] : memref<10000x128xf32, #tpu.memory_space<hbm>> -> memref<10000x128xf32, #tpu.memory_space<hbm>>
    tpu.wait_indirect_dma semaphore(%arg10 : memref<!tpu.dma_semaphore, #tpu.memory_space<semaphore_mem>>) src(%dma_wait3A_70 : memref<10000x128xf32, #tpu.memory_space<hbm>>) dst(%dma_wait3A_65 : memref<40x128xf32, #tpu.memory_space<vmem>>)
    %dma_wait3A_71 = arith.constant 0 : i32
    %dma_wait3A_72 = arith.constant 0 : i32
    %dma_wait3A_73 = arith.constant 0 : i32
    %dma_wait3A_74 = tpu.memref_slice %arg8[%dma_wait3A_71, %dma_wait3A_72, %dma_wait3A_73] : memref<2x40x128xf32, #tpu.memory_space<vmem>> -> memref<1x40x128xf32, #tpu.memory_space<vmem>>
    %dma_wait3A_75 = tpu.memref_squeeze %dma_wait3A_74 : memref<1x40x128xf32, #tpu.memory_space<vmem>> -> memref<40x128xf32, #tpu.memory_space<vmem>>
    %dma_wait3A_76 = arith.constant 0 : i32
    %dma_wait3A_77 = tpu.memref_slice %arg6[%dma_wait3A_76] : memref<5000xi32, #tpu.memory_space<vmem>> -> memref<40xi32, #tpu.memory_space<vmem>>
    %dma_wait3A_78 = arith.constant 0 : i32
    %dma_wait3A_79 = arith.constant 0 : i32
    %dma_wait3A_80 = tpu.memref_slice %arg2[%dma_wait3A_78, %dma_wait3A_79] : memref<10000x128xf32, #tpu.memory_space<hbm>> -> memref<10000x128xf32, #tpu.memory_space<hbm>>
    tpu.wait_indirect_dma semaphore(%arg12 : memref<!tpu.dma_semaphore, #tpu.memory_space<semaphore_mem>>) src(%dma_wait3A_80 : memref<10000x128xf32, #tpu.memory_space<hbm>>) dst(%dma_wait3A_75 : memref<40x128xf32, #tpu.memory_space<vmem>>)
    %scan3A_81 = arith.constant 0 : i32
    %scan3A_82 = arith.constant 40 : i32
    %scan3A_83 = arith.addi %scan3A_81, %scan3A_82 : i32
    %scan3A_84 = arith.constant 1 : i32
    scf.for %scan3A_132 = %scan3A_81 to %scan3A_83 step %scan3A_84  : i32 {
      %get3A = arith.constant 0 : i32
      %get3A_133 = arith.index_cast %get3A : i32 to index
      %get3A_134 = arith.index_cast %scan3A_132 : i32 to index
      %get3A_135 = arith.constant 0 : index
      %get3A_136 = tpu.vector_load %arg7[%get3A_133, %get3A_134, %get3A_135] {strides = array<i32>} : memref<2x40x128xf32, #tpu.memory_space<vmem>>, vector<16xf32>,
      %get3A_137 = arith.constant 0 : i32
      %get3A_138 = arith.index_cast %get3A_137 : i32 to index
      %get3A_139 = arith.index_cast %scan3A_132 : i32 to index
      %get3A_140 = arith.constant 0 : index
      %get3A_141 = tpu.vector_load %arg8[%get3A_138, %get3A_139, %get3A_140] {strides = array<i32>} : memref<2x40x128xf32, #tpu.memory_space<vmem>>, vector<16xf32>,
      %pack3A = tpu.pack_subelements %get3A_136, %get3A_141 {pack_format = #tpu.pack_format<interleaved>, positions = array<i32: 0, 1>} : vector<16xf32>, vector<16xf32> -> vector<32xbf16>
      %bitcast3A = vector.bitcast %pack3A : vector<32xbf16> to vector<16xi32>
      %swap3A = arith.constant 0 : i32
      %swap3A_142 = arith.index_cast %swap3A : i32 to index
      %swap3A_143 = arith.index_cast %scan3A_132 : i32 to index
      %swap3A_144 = arith.constant 0 : index
      %swap3A_145 = tpu.vector_load %arg9[%swap3A_142, %swap3A_143, %swap3A_144] {strides = array<i32>} : memref<2x40x128xi32, #tpu.memory_space<vmem>>, vector<16xi32>,
      tpu.vector_store %arg9[%swap3A_142, %swap3A_143, %swap3A_144], %bitcast3A {strides = array<i32>} : memref<2x40x128xi32, #tpu.memory_space<vmem>>, vector<16xi32>,
      %get3A_146 = arith.constant 0 : i32
      %get3A_147 = arith.index_cast %get3A_146 : i32 to index
      %get3A_148 = arith.index_cast %scan3A_132 : i32 to index
      %get3A_149 = arith.constant 16 : index
      %get3A_150 = tpu.vector_load %arg7[%get3A_147, %get3A_148, %get3A_149] {strides = array<i32>} : memref<2x40x128xf32, #tpu.memory_space<vmem>>, vector<16xf32>,
      %get3A_151 = arith.constant 0 : i32
      %get3A_152 = arith.index_cast %get3A_151 : i32 to index
      %get3A_153 = arith.index_cast %scan3A_132 : i32 to index
      %get3A_154 = arith.constant 16 : index
      %get3A_155 = tpu.vector_load %arg8[%get3A_152, %get3A_153, %get3A_154] {strides = array<i32>} : memref<2x40x128xf32, #tpu.memory_space<vmem>>, vector<16xf32>,
      %pack3A_156 = tpu.pack_subelements %get3A_150, %get3A_155 {pack_format = #tpu.pack_format<interleaved>, positions = array<i32: 0, 1>} : vector<16xf32>, vector<16xf32> -> vector<32xbf16>
      %bitcast3A_157 = vector.bitcast %pack3A_156 : vector<32xbf16> to vector<16xi32>
      %swap3A_158 = arith.constant 0 : i32
      %swap3A_159 = arith.index_cast %swap3A_158 : i32 to index
      %swap3A_160 = arith.index_cast %scan3A_132 : i32 to index
      %swap3A_161 = arith.constant 16 : index
      %swap3A_162 = tpu.vector_load %arg9[%swap3A_159, %swap3A_160, %swap3A_161] {strides = array<i32>} : memref<2x40x128xi32, #tpu.memory_space<vmem>>, vector<16xi32>,
      tpu.vector_store %arg9[%swap3A_159, %swap3A_160, %swap3A_161], %bitcast3A_157 {strides = array<i32>} : memref<2x40x128xi32, #tpu.memory_space<vmem>>, vector<16xi32>,
      %get3A_163 = arith.constant 0 : i32
      %get3A_164 = arith.index_cast %get3A_163 : i32 to index
      %get3A_165 = arith.index_cast %scan3A_132 : i32 to index
      %get3A_166 = arith.constant 32 : index
      %get3A_167 = tpu.vector_load %arg7[%get3A_164, %get3A_165, %get3A_166] {strides = array<i32>} : memref<2x40x128xf32, #tpu.memory_space<vmem>>, vector<16xf32>,
      %get3A_168 = arith.constant 0 : i32
      %get3A_169 = arith.index_cast %get3A_168 : i32 to index
      %get3A_170 = arith.index_cast %scan3A_132 : i32 to index
      %get3A_171 = arith.constant 32 : index
      %get3A_172 = tpu.vector_load %arg8[%get3A_169, %get3A_170, %get3A_171] {strides = array<i32>} : memref<2x40x128xf32, #tpu.memory_space<vmem>>, vector<16xf32>,
      %pack3A_173 = tpu.pack_subelements %get3A_167, %get3A_172 {pack_format = #tpu.pack_format<interleaved>, positions = array<i32: 0, 1>} : vector<16xf32>, vector<16xf32> -> vector<32xbf16>
      %bitcast3A_174 = vector.bitcast %pack3A_173 : vector<32xbf16> to vector<16xi32>
      %swap3A_175 = arith.constant 0 : i32
      %swap3A_176 = arith.index_cast %swap3A_175 : i32 to index
      %swap3A_177 = arith.index_cast %scan3A_132 : i32 to index
      %swap3A_178 = arith.constant 32 : index
      %swap3A_179 = tpu.vector_load %arg9[%swap3A_176, %swap3A_177, %swap3A_178] {strides = array<i32>} : memref<2x40x128xi32, #tpu.memory_space<vmem>>, vector<16xi32>,
      tpu.vector_store %arg9[%swap3A_176, %swap3A_177, %swap3A_178], %bitcast3A_174 {strides = array<i32>} : memref<2x40x128xi32, #tpu.memory_space<vmem>>, vector<16xi32>,
      %get3A_180 = arith.constant 0 : i32
      %get3A_181 = arith.index_cast %get3A_180 : i32 to index
      %get3A_182 = arith.index_cast %scan3A_132 : i32 to index
      %get3A_183 = arith.constant 48 : index
      %get3A_184 = tpu.vector_load %arg7[%get3A_181, %get3A_182, %get3A_183] {strides = array<i32>} : memref<2x40x128xf32, #tpu.memory_space<vmem>>, vector<16xf32>,
      %get3A_185 = arith.constant 0 : i32
      %get3A_186 = arith.index_cast %get3A_185 : i32 to index
      %get3A_187 = arith.index_cast %scan3A_132 : i32 to index
      %get3A_188 = arith.constant 48 : index
      %get3A_189 = tpu.vector_load %arg8[%get3A_186, %get3A_187, %get3A_188] {strides = array<i32>} : memref<2x40x128xf32, #tpu.memory_space<vmem>>, vector<16xf32>,
      %pack3A_190 = tpu.pack_subelements %get3A_184, %get3A_189 {pack_format = #tpu.pack_format<interleaved>, positions = array<i32: 0, 1>} : vector<16xf32>, vector<16xf32> -> vector<32xbf16>
      %bitcast3A_191 = vector.bitcast %pack3A_190 : vector<32xbf16> to vector<16xi32>
      %swap3A_192 = arith.constant 0 : i32
      %swap3A_193 = arith.index_cast %swap3A_192 : i32 to index
      %swap3A_194 = arith.index_cast %scan3A_132 : i32 to index
      %swap3A_195 = arith.constant 48 : index
      %swap3A_196 = tpu.vector_load %arg9[%swap3A_193, %swap3A_194, %swap3A_195] {strides = array<i32>} : memref<2x40x128xi32, #tpu.memory_space<vmem>>, vector<16xi32>,
      tpu.vector_store %arg9[%swap3A_193, %swap3A_194, %swap3A_195], %bitcast3A_191 {strides = array<i32>} : memref<2x40x128xi32, #tpu.memory_space<vmem>>, vector<16xi32>,
      %get3A_197 = arith.constant 0 : i32
      %get3A_198 = arith.index_cast %get3A_197 : i32 to index
      %get3A_199 = arith.index_cast %scan3A_132 : i32 to index
      %get3A_200 = arith.constant 64 : index
      %get3A_201 = tpu.vector_load %arg7[%get3A_198, %get3A_199, %get3A_200] {strides = array<i32>} : memref<2x40x128xf32, #tpu.memory_space<vmem>>, vector<16xf32>,
      %get3A_202 = arith.constant 0 : i32
      %get3A_203 = arith.index_cast %get3A_202 : i32 to index
      %get3A_204 = arith.index_cast %scan3A_132 : i32 to index
      %get3A_205 = arith.constant 64 : index
      %get3A_206 = tpu.vector_load %arg8[%get3A_203, %get3A_204, %get3A_205] {strides = array<i32>} : memref<2x40x128xf32, #tpu.memory_space<vmem>>, vector<16xf32>,
      %pack3A_207 = tpu.pack_subelements %get3A_201, %get3A_206 {pack_format = #tpu.pack_format<interleaved>, positions = array<i32: 0, 1>} : vector<16xf32>, vector<16xf32> -> vector<32xbf16>
      %bitcast3A_208 = vector.bitcast %pack3A_207 : vector<32xbf16> to vector<16xi32>
      %swap3A_209 = arith.constant 0 : i32
      %swap3A_210 = arith.index_cast %swap3A_209 : i32 to index
      %swap3A_211 = arith.index_cast %scan3A_132 : i32 to index
      %swap3A_212 = arith.constant 64 : index
      %swap3A_213 = tpu.vector_load %arg9[%swap3A_210, %swap3A_211, %swap3A_212] {strides = array<i32>} : memref<2x40x128xi32, #tpu.memory_space<vmem>>, vector<16xi32>,
      tpu.vector_store %arg9[%swap3A_210, %swap3A_211, %swap3A_212], %bitcast3A_208 {strides = array<i32>} : memref<2x40x128xi32, #tpu.memory_space<vmem>>, vector<16xi32>,
      %get3A_214 = arith.constant 0 : i32
      %get3A_215 = arith.index_cast %get3A_214 : i32 to index
      %get3A_216 = arith.index_cast %scan3A_132 : i32 to index
      %get3A_217 = arith.constant 80 : index
      %get3A_218 = tpu.vector_load %arg7[%get3A_215, %get3A_216, %get3A_217] {strides = array<i32>} : memref<2x40x128xf32, #tpu.memory_space<vmem>>, vector<16xf32>,
      %get3A_219 = arith.constant 0 : i32
      %get3A_220 = arith.index_cast %get3A_219 : i32 to index
      %get3A_221 = arith.index_cast %scan3A_132 : i32 to index
      %get3A_222 = arith.constant 80 : index
      %get3A_223 = tpu.vector_load %arg8[%get3A_220, %get3A_221, %get3A_222] {strides = array<i32>} : memref<2x40x128xf32, #tpu.memory_space<vmem>>, vector<16xf32>,
      %pack3A_224 = tpu.pack_subelements %get3A_218, %get3A_223 {pack_format = #tpu.pack_format<interleaved>, positions = array<i32: 0, 1>} : vector<16xf32>, vector<16xf32> -> vector<32xbf16>
      %bitcast3A_225 = vector.bitcast %pack3A_224 : vector<32xbf16> to vector<16xi32>
      %swap3A_226 = arith.constant 0 : i32
      %swap3A_227 = arith.index_cast %swap3A_226 : i32 to index
      %swap3A_228 = arith.index_cast %scan3A_132 : i32 to index
      %swap3A_229 = arith.constant 80 : index
      %swap3A_230 = tpu.vector_load %arg9[%swap3A_227, %swap3A_228, %swap3A_229] {strides = array<i32>} : memref<2x40x128xi32, #tpu.memory_space<vmem>>, vector<16xi32>,
      tpu.vector_store %arg9[%swap3A_227, %swap3A_228, %swap3A_229], %bitcast3A_225 {strides = array<i32>} : memref<2x40x128xi32, #tpu.memory_space<vmem>>, vector<16xi32>,
      %get3A_231 = arith.constant 0 : i32
      %get3A_232 = arith.index_cast %get3A_231 : i32 to index
      %get3A_233 = arith.index_cast %scan3A_132 : i32 to index
      %get3A_234 = arith.constant 96 : index
      %get3A_235 = tpu.vector_load %arg7[%get3A_232, %get3A_233, %get3A_234] {strides = array<i32>} : memref<2x40x128xf32, #tpu.memory_space<vmem>>, vector<16xf32>,
      %get3A_236 = arith.constant 0 : i32
      %get3A_237 = arith.index_cast %get3A_236 : i32 to index
      %get3A_238 = arith.index_cast %scan3A_132 : i32 to index
      %get3A_239 = arith.constant 96 : index
      %get3A_240 = tpu.vector_load %arg8[%get3A_237, %get3A_238, %get3A_239] {strides = array<i32>} : memref<2x40x128xf32, #tpu.memory_space<vmem>>, vector<16xf32>,
      %pack3A_241 = tpu.pack_subelements %get3A_235, %get3A_240 {pack_format = #tpu.pack_format<interleaved>, positions = array<i32: 0, 1>} : vector<16xf32>, vector<16xf32> -> vector<32xbf16>
      %bitcast3A_242 = vector.bitcast %pack3A_241 : vector<32xbf16> to vector<16xi32>
      %swap3A_243 = arith.constant 0 : i32
      %swap3A_244 = arith.index_cast %swap3A_243 : i32 to index
      %swap3A_245 = arith.index_cast %scan3A_132 : i32 to index
      %swap3A_246 = arith.constant 96 : index
      %swap3A_247 = tpu.vector_load %arg9[%swap3A_244, %swap3A_245, %swap3A_246] {strides = array<i32>} : memref<2x40x128xi32, #tpu.memory_space<vmem>>, vector<16xi32>,
      tpu.vector_store %arg9[%swap3A_244, %swap3A_245, %swap3A_246], %bitcast3A_242 {strides = array<i32>} : memref<2x40x128xi32, #tpu.memory_space<vmem>>, vector<16xi32>,
      %get3A_248 = arith.constant 0 : i32
      %get3A_249 = arith.index_cast %get3A_248 : i32 to index
      %get3A_250 = arith.index_cast %scan3A_132 : i32 to index
      %get3A_251 = arith.constant 112 : index
      %get3A_252 = tpu.vector_load %arg7[%get3A_249, %get3A_250, %get3A_251] {strides = array<i32>} : memref<2x40x128xf32, #tpu.memory_space<vmem>>, vector<16xf32>,
      %get3A_253 = arith.constant 0 : i32
      %get3A_254 = arith.index_cast %get3A_253 : i32 to index
      %get3A_255 = arith.index_cast %scan3A_132 : i32 to index
      %get3A_256 = arith.constant 112 : index
      %get3A_257 = tpu.vector_load %arg8[%get3A_254, %get3A_255, %get3A_256] {strides = array<i32>} : memref<2x40x128xf32, #tpu.memory_space<vmem>>, vector<16xf32>,
      %pack3A_258 = tpu.pack_subelements %get3A_252, %get3A_257 {pack_format = #tpu.pack_format<interleaved>, positions = array<i32: 0, 1>} : vector<16xf32>, vector<16xf32> -> vector<32xbf16>
      %bitcast3A_259 = vector.bitcast %pack3A_258 : vector<32xbf16> to vector<16xi32>
      %swap3A_260 = arith.constant 0 : i32
      %swap3A_261 = arith.index_cast %swap3A_260 : i32 to index
      %swap3A_262 = arith.index_cast %scan3A_132 : i32 to index
      %swap3A_263 = arith.constant 112 : index
      %swap3A_264 = tpu.vector_load %arg9[%swap3A_261, %swap3A_262, %swap3A_263] {strides = array<i32>} : memref<2x40x128xi32, #tpu.memory_space<vmem>>, vector<16xi32>,
      tpu.vector_store %arg9[%swap3A_261, %swap3A_262, %swap3A_263], %bitcast3A_259 {strides = array<i32>} : memref<2x40x128xi32, #tpu.memory_space<vmem>>, vector<16xi32>,
    }
    %scan3A_85 = arith.constant 40 : i32
    %multiple_of3A_86 = arith.constant 4960 : i32
    %multiple_of3A_87 = tpu.assume_multiple %multiple_of3A_86, 8 : i32
    %add3A_88 = arith.addi %mul3A_2, %multiple_of3A_87 : i32
    %dma_start3A_89 = arith.constant 0 : i32
    %dma_start3A_90 = arith.constant 0 : i32
    %dma_start3A_91 = arith.constant 0 : i32
    %dma_start3A_92 = tpu.memref_slice %arg9[%dma_start3A_89, %dma_start3A_90, %dma_start3A_91] : memref<2x40x128xi32, #tpu.memory_space<vmem>> -> memref<1x40x128xi32, #tpu.memory_space<vmem>>
    %dma_start3A_93 = tpu.memref_squeeze %dma_start3A_92 : memref<1x40x128xi32, #tpu.memory_space<vmem>> -> memref<40x128xi32, #tpu.memory_space<vmem>>
    %dma_start3A_94 = arith.constant 0 : i32
    %dma_start3A_95 = tpu.memref_slice %arg4[%add3A_88, %dma_start3A_94] : memref<160000x128xi32, #tpu.memory_space<hbm>> -> memref<40x128xi32, #tpu.memory_space<hbm>>
    %dma_start3A_96 = arith.constant 0 : i32
    %dma_start3A_97 = tpu.memref_slice %arg4[%add3A_88, %dma_start3A_96] : memref<160000x128xi32, #tpu.memory_space<hbm>> -> memref<40x128xi32, #tpu.memory_space<hbm>>
    %dma_start3A_98 = arith.constant 0 : i32
    %dma_start3A_99 = arith.constant 0 : i32
    %dma_start3A_100 = tpu.memref_slice %arg9[%dma_start3A_89, %dma_start3A_98, %dma_start3A_99] : memref<2x40x128xi32, #tpu.memory_space<vmem>> -> memref<1x40x128xi32, #tpu.memory_space<vmem>>
    %dma_start3A_101 = tpu.memref_squeeze %dma_start3A_100 : memref<1x40x128xi32, #tpu.memory_space<vmem>> -> memref<40x128xi32, #tpu.memory_space<vmem>>
    tpu.enqueue_dma source(%dma_start3A_101 : memref<40x128xi32, #tpu.memory_space<vmem>>) target(%dma_start3A_97 : memref<40x128xi32, #tpu.memory_space<hbm>>) target_semaphore(%arg14 : memref<!tpu.dma_semaphore, #tpu.memory_space<semaphore_mem>>)
    %dma_wait3A_102 = arith.constant 1 : i32
    %dma_wait3A_103 = arith.constant 0 : i32
    %dma_wait3A_104 = arith.constant 0 : i32
    %dma_wait3A_105 = tpu.memref_slice %arg9[%dma_wait3A_102, %dma_wait3A_103, %dma_wait3A_104] : memref<2x40x128xi32, #tpu.memory_space<vmem>> -> memref<1x40x128xi32, #tpu.memory_space<vmem>>
    %dma_wait3A_106 = tpu.memref_squeeze %dma_wait3A_105 : memref<1x40x128xi32, #tpu.memory_space<vmem>> -> memref<40x128xi32, #tpu.memory_space<vmem>>
    %dma_wait3A_107 = arith.constant 0 : i32
    %dma_wait3A_108 = arith.constant 0 : i32
    %dma_wait3A_109 = tpu.memref_slice %arg4[%dma_wait3A_107, %dma_wait3A_108] : memref<160000x128xi32, #tpu.memory_space<hbm>> -> memref<40x128xi32, #tpu.memory_space<hbm>>
    %dma_wait3A_110 = arith.constant 0 : i32
    %dma_wait3A_111 = arith.constant 0 : i32
    %dma_wait3A_112 = tpu.memref_slice %arg4[%dma_wait3A_110, %dma_wait3A_111] : memref<160000x128xi32, #tpu.memory_space<hbm>> -> memref<40x128xi32, #tpu.memory_space<hbm>>
    %dma_wait3A_113 = arith.constant 0 : i32
    %dma_wait3A_114 = arith.constant 0 : i32
    %dma_wait3A_115 = tpu.memref_slice %arg9[%dma_wait3A_102, %dma_wait3A_113, %dma_wait3A_114] : memref<2x40x128xi32, #tpu.memory_space<vmem>> -> memref<1x40x128xi32, #tpu.memory_space<vmem>>
    %dma_wait3A_116 = tpu.memref_squeeze %dma_wait3A_115 : memref<1x40x128xi32, #tpu.memory_space<vmem>> -> memref<40x128xi32, #tpu.memory_space<vmem>>
    tpu.wait_dma2 semaphore(%arg15 : memref<!tpu.dma_semaphore, #tpu.memory_space<semaphore_mem>>) src(%dma_wait3A_116 : memref<40x128xi32, #tpu.memory_space<vmem>>) dst(%dma_wait3A_112 : memref<40x128xi32, #tpu.memory_space<hbm>>)
    %dma_wait3A_117 = arith.constant 0 : i32
    %dma_wait3A_118 = arith.constant 0 : i32
    %dma_wait3A_119 = arith.constant 0 : i32
    %dma_wait3A_120 = tpu.memref_slice %arg9[%dma_wait3A_117, %dma_wait3A_118, %dma_wait3A_119] : memref<2x40x128xi32, #tpu.memory_space<vmem>> -> memref<1x40x128xi32, #tpu.memory_space<vmem>>
    %dma_wait3A_121 = tpu.memref_squeeze %dma_wait3A_120 : memref<1x40x128xi32, #tpu.memory_space<vmem>> -> memref<40x128xi32, #tpu.memory_space<vmem>>
    %dma_wait3A_122 = arith.constant 0 : i32
    %dma_wait3A_123 = arith.constant 0 : i32
    %dma_wait3A_124 = tpu.memref_slice %arg4[%dma_wait3A_122, %dma_wait3A_123] : memref<160000x128xi32, #tpu.memory_space<hbm>> -> memref<40x128xi32, #tpu.memory_space<hbm>>
    %dma_wait3A_125 = arith.constant 0 : i32
    %dma_wait3A_126 = arith.constant 0 : i32
    %dma_wait3A_127 = tpu.memref_slice %arg4[%dma_wait3A_125, %dma_wait3A_126] : memref<160000x128xi32, #tpu.memory_space<hbm>> -> memref<40x128xi32, #tpu.memory_space<hbm>>
    %dma_wait3A_128 = arith.constant 0 : i32
    %dma_wait3A_129 = arith.constant 0 : i32
    %dma_wait3A_130 = tpu.memref_slice %arg9[%dma_wait3A_117, %dma_wait3A_128, %dma_wait3A_129] : memref<2x40x128xi32, #tpu.memory_space<vmem>> -> memref<1x40x128xi32, #tpu.memory_space<vmem>>
    %dma_wait3A_131 = tpu.memref_squeeze %dma_wait3A_130 : memref<1x40x128xi32, #tpu.memory_space<vmem>> -> memref<40x128xi32, #tpu.memory_space<vmem>>
    tpu.wait_dma2 semaphore(%arg14 : memref<!tpu.dma_semaphore, #tpu.memory_space<semaphore_mem>>) src(%dma_wait3A_131 : memref<40x128xi32, #tpu.memory_space<vmem>>) dst(%dma_wait3A_127 : memref<40x128xi32, #tpu.memory_space<hbm>>)
    return
  }
}

module attributes {stable_mosaic.version = 14 : i64} {
  func.func @_k1_body(%arg0: i32, %arg1: memref<2000x128xf32, #tpu.memory_space<vmem>>, %arg2: memref<128x128xf32, #tpu.memory_space<vmem>>, %arg3: memref<128x128xf32, #tpu.memory_space<vmem>>, %arg4: memref<1x128xf32, #tpu.memory_space<vmem>>, %arg5: memref<2000x128xf32, #tpu.memory_space<vmem>>, %arg6: memref<2000x128xf32, #tpu.memory_space<vmem>>) attributes {dimension_semantics = [#tpu.dimension_semantics<arbitrary>], iteration_bounds = array<i64: 5>, scalar_prefetch = 0 : i64, scratch_operands = 0 : i64, tpu.core_type = #tpu.core_type<tc>, window_params = [{transform_indices = @transform_0, window_bounds = array<i64: 2000, 128>}, {pipeline_mode = #tpu.pipeline_mode<synchronous>, transform_indices = @transform_1, window_bounds = array<i64: 128, 128>}, {pipeline_mode = #tpu.pipeline_mode<synchronous>, transform_indices = @transform_2, window_bounds = array<i64: 128, 128>}, {pipeline_mode = #tpu.pipeline_mode<synchronous>, transform_indices = @transform_3, window_bounds = array<i64: 1, 128>}, {transform_indices = @transform_4, window_bounds = array<i64: 2000, 128>}, {transform_indices = @transform_5, window_bounds = array<i64: 2000, 128>}]} {
    %get3A = arith.constant 0 : index
    %get3A_0 = arith.constant 0 : index
    %get3A_1 = vector.load %arg1[%get3A, %get3A_0] : memref<2000x128xf32, #tpu.memory_space<vmem>>, vector<2000x128xf32>
    %get3A_2 = arith.constant 0 : index
    %get3A_3 = arith.constant 0 : index
    %get3A_4 = vector.load %arg2[%get3A_2, %get3A_3] : memref<128x128xf32, #tpu.memory_space<vmem>>, vector<128x128xf32>
    %dot_general3A = arith.constant dense<0.000000e+00> : vector<2000x128xf32>
    %dot_general3A_5 = tpu.matmul %get3A_1, %get3A_4, %dot_general3A {dimension_numbers = #tpu.dot_dimension_numbers<[1], [0], [0], [1], [0, 0, 1, 1], [], []>, transpose_lhs_hint = false} : vector<2000x128xf32>, vector<128x128xf32>, vector<2000x128xf32> -> vector<2000x128xf32>
    %get3A_6 = arith.constant 0 : index
    %get3A_7 = arith.constant 0 : index
    %get3A_8 = vector.load %arg4[%get3A_6, %get3A_7] : memref<1x128xf32, #tpu.memory_space<vmem>>, vector<1x128xf32>
    %add3A = vector.broadcast %get3A_8 : vector<1x128xf32> to vector<2000x128xf32>
    %add3A_9 = arith.addf %dot_general3A_5, %add3A : vector<2000x128xf32>
    %swap3A = arith.constant 0 : index
    %swap3A_10 = arith.constant 0 : index
    %swap3A_11 = vector.load %arg5[%swap3A, %swap3A_10] : memref<2000x128xf32, #tpu.memory_space<vmem>>, vector<2000x128xf32>
    tpu.vector_store %arg5[%swap3A, %swap3A_10], %add3A_9 {strides = array<i32>} : memref<2000x128xf32, #tpu.memory_space<vmem>>, vector<2000x128xf32>,
    %get3A_12 = arith.constant 0 : index
    %get3A_13 = arith.constant 0 : index
    %get3A_14 = vector.load %arg3[%get3A_12, %get3A_13] : memref<128x128xf32, #tpu.memory_space<vmem>>, vector<128x128xf32>
    %dot_general3A_15 = arith.constant dense<0.000000e+00> : vector<2000x128xf32>
    %dot_general3A_16 = tpu.matmul %get3A_1, %get3A_14, %dot_general3A_15 {dimension_numbers = #tpu.dot_dimension_numbers<[1], [0], [0], [1], [0, 0, 1, 1], [], []>, transpose_lhs_hint = false} : vector<2000x128xf32>, vector<128x128xf32>, vector<2000x128xf32> -> vector<2000x128xf32>
    %swap3A_17 = arith.constant 0 : index
    %swap3A_18 = arith.constant 0 : index
    %swap3A_19 = vector.load %arg6[%swap3A_17, %swap3A_18] : memref<2000x128xf32, #tpu.memory_space<vmem>>, vector<2000x128xf32>
    tpu.vector_store %arg6[%swap3A_17, %swap3A_18], %dot_general3A_16 {strides = array<i32>} : memref<2000x128xf32, #tpu.memory_space<vmem>>, vector<2000x128xf32>,
    return
  }
  func.func @transform_0(%arg0: i32) -> (i32, i32) {
    %c0_i32 = arith.constant 0 : i32
    %c0_i32_0 = arith.constant 0 : i32
    return %arg0, %c0_i32 : i32, i32
  }
  func.func @transform_1(%arg0: i32) -> (i32, i32) {
    %c0_i32 = arith.constant 0 : i32
    %c0_i32_0 = arith.constant 0 : i32
    %c0_i32_1 = arith.constant 0 : i32
    return %c0_i32, %c0_i32_0 : i32, i32
  }
  func.func @transform_2(%arg0: i32) -> (i32, i32) {
    %c0_i32 = arith.constant 0 : i32
    %c0_i32_0 = arith.constant 0 : i32
    %c0_i32_1 = arith.constant 0 : i32
    return %c0_i32, %c0_i32_0 : i32, i32
  }
  func.func @transform_3(%arg0: i32) -> (i32, i32) {
    %c0_i32 = arith.constant 0 : i32
    %c0_i32_0 = arith.constant 0 : i32
    %c0_i32_1 = arith.constant 0 : i32
    return %c0_i32, %c0_i32_0 : i32, i32
  }
  func.func @transform_4(%arg0: i32) -> (i32, i32) {
    %c0_i32 = arith.constant 0 : i32
    %c0_i32_0 = arith.constant 0 : i32
    return %arg0, %c0_i32 : i32, i32
  }
  func.func @transform_5(%arg0: i32) -> (i32, i32) {
    %c0_i32 = arith.constant 0 : i32
    %c0_i32_0 = arith.constant 0 : i32
    return %arg0, %c0_i32 : i32, i32
  }
}

module attributes {stable_mosaic.version = 14 : i64} {
  func.func @_k3_body(%arg0: i32, %arg1: memref<200x32x128xi32, #tpu.memory_space<vmem>>, %arg2: memref<200x32x16xf32, #tpu.memory_space<vmem>>, %arg3: memref<200x32x16xf32, #tpu.memory_space<vmem>>, %arg4: memref<200x128xf32, #tpu.memory_space<vmem>>, %arg5: memref<200x128xf32, #tpu.memory_space<vmem>>, %arg6: memref<16x128xf32, #tpu.memory_space<vmem>>, %arg7: memref<8x128xf32, #tpu.memory_space<vmem>>) attributes {dimension_semantics = [#tpu.dimension_semantics<arbitrary>], iteration_bounds = array<i64: 25>, scalar_prefetch = 0 : i64, scratch_operands = 0 : i64, tpu.core_type = #tpu.core_type<tc>, window_params = [{transform_indices = @transform_0, window_bounds = array<i64: 200, 32, 128>}, {transform_indices = @transform_1, window_bounds = array<i64: 200, 32, 16>}, {transform_indices = @transform_2, window_bounds = array<i64: 200, 32, 16>}, {transform_indices = @transform_3, window_bounds = array<i64: 200, 128>}, {transform_indices = @transform_4, window_bounds = array<i64: 200, 128>}, {pipeline_mode = #tpu.pipeline_mode<synchronous>, transform_indices = @transform_5, window_bounds = array<i64: 16, 128>}, {pipeline_mode = #tpu.pipeline_mode<synchronous>, transform_indices = @transform_6, window_bounds = array<i64: 8, 128>}]} {
    %get3A = arith.constant 0 : index
    %get3A_0 = arith.constant 0 : index
    %get3A_1 = arith.constant 0 : index
    %get3A_2 = vector.load %arg1[%get3A, %get3A_0, %get3A_1] : memref<200x32x128xi32, #tpu.memory_space<vmem>>, vector<200x32x128xi32>
    %reshape3A = vector.shape_cast %get3A_2 : vector<200x32x128xi32> to vector<6400x128xi32>
    %shift_left3A = arith.constant 16 : i32
    %shift_left3A_3 = vector.broadcast %shift_left3A : i32 to vector<6400x128xi32>
    %shift_left3A_4 = arith.shli %reshape3A, %shift_left3A_3 : vector<6400x128xi32>
    %bitcast_convert_type3A = tpu.bitcast %shift_left3A_4 : vector<6400x128xi32> -> vector<6400x128xf32>
    %and3A = arith.constant -65536 : i32
    %and3A_5 = vector.broadcast %and3A : i32 to vector<6400x128xi32>
    %and3A_6 = arith.andi %reshape3A, %and3A_5 : vector<6400x128xi32>
    %bitcast_convert_type3A_7 = tpu.bitcast %and3A_6 : vector<6400x128xi32> -> vector<6400x128xf32>
    %get3A_8 = arith.constant 0 : index
    %get3A_9 = arith.constant 0 : index
    %get3A_10 = vector.load %arg6[%get3A_8, %get3A_9] : memref<16x128xf32, #tpu.memory_space<vmem>>, vector<16x128xf32>
    %get3A_11 = arith.constant 0 : index
    %get3A_12 = arith.constant 0 : index
    %get3A_13 = arith.constant 0 : index
    %get3A_14 = vector.load %arg2[%get3A_11, %get3A_12, %get3A_13] : memref<200x32x16xf32, #tpu.memory_space<vmem>>, vector<200x32x16xf32>
    %reshape3A_15 = vector.shape_cast %get3A_14 : vector<200x32x16xf32> to vector<6400x16xf32>
    %dot_general3A = arith.constant dense<0.000000e+00> : vector<6400x128xf32>
    %dot_general3A_16 = tpu.matmul %reshape3A_15, %get3A_10, %dot_general3A {dimension_numbers = #tpu.dot_dimension_numbers<[1], [0], [0], [1], [0, 0, 1, 1], [], []>, transpose_lhs_hint = false} : vector<6400x16xf32>, vector<16x128xf32>, vector<6400x128xf32> -> vector<6400x128xf32>
    %get3A_17 = arith.constant 0 : index
    %get3A_18 = arith.constant 0 : index
    %get3A_19 = arith.constant 0 : index
    %get3A_20 = vector.load %arg3[%get3A_17, %get3A_18, %get3A_19] : memref<200x32x16xf32, #tpu.memory_space<vmem>>, vector<200x32x16xf32>
    %reshape3A_21 = vector.shape_cast %get3A_20 : vector<200x32x16xf32> to vector<6400x16xf32>
    %dot_general3A_22 = arith.constant dense<0.000000e+00> : vector<6400x128xf32>
    %dot_general3A_23 = tpu.matmul %reshape3A_21, %get3A_10, %dot_general3A_22 {dimension_numbers = #tpu.dot_dimension_numbers<[1], [0], [0], [1], [0, 0, 1, 1], [], []>, transpose_lhs_hint = false} : vector<6400x16xf32>, vector<16x128xf32>, vector<6400x128xf32> -> vector<6400x128xf32>
    %get3A_24 = arith.constant 0 : index
    %get3A_25 = arith.constant 0 : index
    %get3A_26 = vector.load %arg4[%get3A_24, %get3A_25] : memref<200x128xf32, #tpu.memory_space<vmem>>, vector<200x128xf32>
    %broadcast_in_dim3A = vector.shape_cast %get3A_26 : vector<200x128xf32> to vector<200x1x128xf32>
    %broadcast_in_dim3A_27 = vector.shape_cast %broadcast_in_dim3A : vector<200x1x128xf32> to vector<200x1x128xf32>
    %broadcast_in_dim3A_28 = vector.broadcast %broadcast_in_dim3A_27 : vector<200x1x128xf32> to vector<200x32x128xf32>
    %reshape3A_29 = vector.shape_cast %broadcast_in_dim3A_28 : vector<200x32x128xf32> to vector<6400x128xf32>
    %get3A_30 = arith.constant 0 : index
    %get3A_31 = arith.constant 0 : index
    %get3A_32 = vector.load %arg5[%get3A_30, %get3A_31] : memref<200x128xf32, #tpu.memory_space<vmem>>, vector<200x128xf32>
    %broadcast_in_dim3A_33 = vector.shape_cast %get3A_32 : vector<200x128xf32> to vector<200x1x128xf32>
    %broadcast_in_dim3A_34 = vector.shape_cast %broadcast_in_dim3A_33 : vector<200x1x128xf32> to vector<200x1x128xf32>
    %broadcast_in_dim3A_35 = vector.broadcast %broadcast_in_dim3A_34 : vector<200x1x128xf32> to vector<200x32x128xf32>
    %reshape3A_36 = vector.shape_cast %broadcast_in_dim3A_35 : vector<200x32x128xf32> to vector<6400x128xf32>
    %add3A = arith.addf %bitcast_convert_type3A, %dot_general3A_16 : vector<6400x128xf32>
    %add3A_37 = arith.addf %add3A, %reshape3A_29 : vector<6400x128xf32>
    %add3A_38 = arith.addf %bitcast_convert_type3A_7, %dot_general3A_23 : vector<6400x128xf32>
    %add3A_39 = arith.addf %add3A_38, %reshape3A_36 : vector<6400x128xf32>
    %reduce_sum3A = arith.constant dense<0.000000e+00> : vector<128xf32>
    %reduce_sum3A_40 = vector.multi_reduction <add>, %add3A_37, %reduce_sum3A [0] : vector<6400x128xf32> to vector<128xf32>
    %reduce_sum3A_41 = arith.constant dense<0.000000e+00> : vector<128xf32>
    %reduce_sum3A_42 = vector.multi_reduction <add>, %add3A_39, %reduce_sum3A_41 [0] : vector<6400x128xf32> to vector<128xf32>
    %add3A_43 = arith.addf %reduce_sum3A_40, %reduce_sum3A_42 : vector<128xf32>
    %mul3A = arith.mulf %add3A_37, %add3A_37 : vector<6400x128xf32>
    %reduce_sum3A_44 = arith.constant dense<0.000000e+00> : vector<128xf32>
    %reduce_sum3A_45 = vector.multi_reduction <add>, %mul3A, %reduce_sum3A_44 [0] : vector<6400x128xf32> to vector<128xf32>
    %mul3A_46 = arith.mulf %add3A_39, %add3A_39 : vector<6400x128xf32>
    %reduce_sum3A_47 = arith.constant dense<0.000000e+00> : vector<128xf32>
    %reduce_sum3A_48 = vector.multi_reduction <add>, %mul3A_46, %reduce_sum3A_47 [0] : vector<6400x128xf32> to vector<128xf32>
    %add3A_49 = arith.addf %reduce_sum3A_45, %reduce_sum3A_48 : vector<128xf32>
    %broadcast_in_dim3A_50 = vector.shape_cast %add3A_43 : vector<128xf32> to vector<1x128xf32>
    %broadcast_in_dim3A_51 = vector.shape_cast %add3A_49 : vector<128xf32> to vector<1x128xf32>
    %broadcast_in_dim3A_52 = arith.constant 0.000000e+00 : f32
    %broadcast_in_dim3A_53 = vector.broadcast %broadcast_in_dim3A_52 : f32 to vector<6x128xf32>
    %concatenate3A = tpu.concatenate %broadcast_in_dim3A_50, %broadcast_in_dim3A_51, %broadcast_in_dim3A_53 in 0 : vector<1x128xf32>, vector<1x128xf32>, vector<6x128xf32> -> vector<8x128xf32>
    %eq3A = arith.constant 0 : i32
    %eq3A_54 = arith.cmpi eq, %arg0, %eq3A : i32
    %convert_element_type3A = arith.extui %eq3A_54 : i1 to i32
    %cond3A = arith.constant 0 : i32
    %cond3A_55 = arith.cmpi ne, %convert_element_type3A, %cond3A : i32
    scf.if %cond3A_55 {
      %swap3A = arith.constant 0 : index
      %swap3A_60 = arith.constant 0 : index
      %swap3A_61 = vector.load %arg7[%swap3A, %swap3A_60] : memref<8x128xf32, #tpu.memory_space<vmem>>, vector<8x128xf32>
      tpu.vector_store %arg7[%swap3A, %swap3A_60], %concatenate3A {strides = array<i32>} : memref<8x128xf32, #tpu.memory_space<vmem>>, vector<8x128xf32>,
    } else {
    }
    %ne3A = arith.constant 0 : i32
    %ne3A_56 = arith.cmpi ne, %arg0, %ne3A : i32
    %convert_element_type3A_57 = arith.extui %ne3A_56 : i1 to i32
    %cond3A_58 = arith.constant 0 : i32
    %cond3A_59 = arith.cmpi ne, %convert_element_type3A_57, %cond3A_58 : i32
    scf.if %cond3A_59 {
      %get3A_60 = arith.constant 0 : index
      %get3A_61 = arith.constant 0 : index
      %get3A_62 = vector.load %arg7[%get3A_60, %get3A_61] : memref<8x128xf32, #tpu.memory_space<vmem>>, vector<8x128xf32>
      %add3A_63 = arith.addf %get3A_62, %concatenate3A : vector<8x128xf32>
      %swap3A = arith.constant 0 : index
      %swap3A_64 = arith.constant 0 : index
      %swap3A_65 = vector.load %arg7[%swap3A, %swap3A_64] : memref<8x128xf32, #tpu.memory_space<vmem>>, vector<8x128xf32>
      tpu.vector_store %arg7[%swap3A, %swap3A_64], %add3A_63 {strides = array<i32>} : memref<8x128xf32, #tpu.memory_space<vmem>>, vector<8x128xf32>,
    } else {
    }
    return
  }
  func.func @transform_0(%arg0: i32) -> (i32, i32, i32) {
    %c0_i32 = arith.constant 0 : i32
    %c0_i32_0 = arith.constant 0 : i32
    %c0_i32_1 = arith.constant 0 : i32
    return %arg0, %c0_i32, %c0_i32_0 : i32, i32, i32
  }
  func.func @transform_1(%arg0: i32) -> (i32, i32, i32) {
    %c0_i32 = arith.constant 0 : i32
    %c0_i32_0 = arith.constant 0 : i32
    %c0_i32_1 = arith.constant 0 : i32
    return %arg0, %c0_i32, %c0_i32_0 : i32, i32, i32
  }
  func.func @transform_2(%arg0: i32) -> (i32, i32, i32) {
    %add3A = arith.constant 25 : i32
    %add3A_0 = arith.addi %add3A, %arg0 : i32
    %c0_i32 = arith.constant 0 : i32
    %c0_i32_1 = arith.constant 0 : i32
    %c0_i32_2 = arith.constant 0 : i32
    return %add3A_0, %c0_i32, %c0_i32_1 : i32, i32, i32
  }
  func.func @transform_3(%arg0: i32) -> (i32, i32) {
    %c0_i32 = arith.constant 0 : i32
    %c0_i32_0 = arith.constant 0 : i32
    return %arg0, %c0_i32 : i32, i32
  }
  func.func @transform_4(%arg0: i32) -> (i32, i32) {
    %add3A = arith.constant 25 : i32
    %add3A_0 = arith.addi %add3A, %arg0 : i32
    %c0_i32 = arith.constant 0 : i32
    %c0_i32_1 = arith.constant 0 : i32
    return %add3A_0, %c0_i32 : i32, i32
  }
  func.func @transform_5(%arg0: i32) -> (i32, i32) {
    %c0_i32 = arith.constant 0 : i32
    %c0_i32_0 = arith.constant 0 : i32
    %c0_i32_1 = arith.constant 0 : i32
    return %c0_i32, %c0_i32_0 : i32, i32
  }
  func.func @transform_6(%arg0: i32) -> (i32, i32) {
    %c0_i32 = arith.constant 0 : i32
    %c0_i32_0 = arith.constant 0 : i32
    %c0_i32_1 = arith.constant 0 : i32
    return %c0_i32, %c0_i32_0 : i32, i32
  }
}

module attributes {stable_mosaic.version = 14 : i64} {
  func.func @_k4_body(%arg0: i32, %arg1: memref<200x32x128xi32, #tpu.memory_space<vmem>>, %arg2: memref<200x32x16xf32, #tpu.memory_space<vmem>>, %arg3: memref<200x32x16xf32, #tpu.memory_space<vmem>>, %arg4: memref<200x128xf32, #tpu.memory_space<vmem>>, %arg5: memref<200x128xf32, #tpu.memory_space<vmem>>, %arg6: memref<16x128xf32, #tpu.memory_space<vmem>>, %arg7: memref<8x128xf32, #tpu.memory_space<vmem>>, %arg8: memref<1x128xf32, #tpu.memory_space<vmem>>, %arg9: memref<1x128xf32, #tpu.memory_space<vmem>>, %arg10: memref<200x128xf32, #tpu.memory_space<vmem>>, %arg11: memref<200x128xf32, #tpu.memory_space<vmem>>, %arg12: memref<8x128xf32, #tpu.memory_space<vmem>>) attributes {dimension_semantics = [#tpu.dimension_semantics<arbitrary>], iteration_bounds = array<i64: 25>, scalar_prefetch = 0 : i64, scratch_operands = 0 : i64, tpu.core_type = #tpu.core_type<tc>, window_params = [{transform_indices = @transform_0, window_bounds = array<i64: 200, 32, 128>}, {transform_indices = @transform_1, window_bounds = array<i64: 200, 32, 16>}, {transform_indices = @transform_2, window_bounds = array<i64: 200, 32, 16>}, {transform_indices = @transform_3, window_bounds = array<i64: 200, 128>}, {transform_indices = @transform_4, window_bounds = array<i64: 200, 128>}, {pipeline_mode = #tpu.pipeline_mode<synchronous>, transform_indices = @transform_5, window_bounds = array<i64: 16, 128>}, {pipeline_mode = #tpu.pipeline_mode<synchronous>, transform_indices = @transform_6, window_bounds = array<i64: 8, 128>}, {pipeline_mode = #tpu.pipeline_mode<synchronous>, transform_indices = @transform_7, window_bounds = array<i64: 1, 128>}, {pipeline_mode = #tpu.pipeline_mode<synchronous>, transform_indices = @transform_8, window_bounds = array<i64: 1, 128>}, {transform_indices = @transform_9, window_bounds = array<i64: 200, 128>}, {transform_indices = @transform_10, window_bounds = array<i64: 200, 128>}, {pipeline_mode = #tpu.pipeline_mode<synchronous>, transform_indices = @transform_11, window_bounds = array<i64: 8, 128>}]} {
    %get3A = arith.constant 0 : index
    %get3A_0 = arith.constant 0 : index
    %get3A_1 = vector.load %arg7[%get3A, %get3A_0] : memref<8x128xf32, #tpu.memory_space<vmem>>, vector<1x128xf32>
    %get3A_2 = vector.shape_cast %get3A_1 : vector<1x128xf32> to vector<128xf32>
    %div3A = arith.constant 3.200000e+05 : f32
    %div3A_3 = vector.broadcast %div3A : f32 to vector<128xf32>
    %div3A_4 = arith.divf %get3A_2, %div3A_3 : vector<128xf32>
    %get3A_5 = arith.constant 1 : index
    %get3A_6 = arith.constant 0 : index
    %get3A_7 = vector.load %arg7[%get3A_5, %get3A_6] : memref<8x128xf32, #tpu.memory_space<vmem>>, vector<1x128xf32>
    %get3A_8 = vector.shape_cast %get3A_7 : vector<1x128xf32> to vector<128xf32>
    %div3A_9 = arith.constant 3.200000e+05 : f32
    %div3A_10 = vector.broadcast %div3A_9 : f32 to vector<128xf32>
    %div3A_11 = arith.divf %get3A_8, %div3A_10 : vector<128xf32>
    %mul3A = arith.mulf %div3A_4, %div3A_4 : vector<128xf32>
    %sub3A = arith.subf %div3A_11, %mul3A : vector<128xf32>
    %get3A_12 = arith.constant 0 : index
    %get3A_13 = arith.constant 0 : index
    %get3A_14 = vector.load %arg8[%get3A_12, %get3A_13] : memref<1x128xf32, #tpu.memory_space<vmem>>, vector<1x128xf32>
    %get3A_15 = vector.shape_cast %get3A_14 : vector<1x128xf32> to vector<128xf32>
    %add3A = arith.constant 9.99999974E-6 : f32
    %add3A_16 = vector.broadcast %add3A : f32 to vector<128xf32>
    %add3A_17 = arith.addf %sub3A, %add3A_16 : vector<128xf32>
    %rsqrt3A = math.rsqrt %add3A_17 : vector<128xf32>
    %mul3A_18 = arith.mulf %get3A_15, %rsqrt3A : vector<128xf32>
    %get3A_19 = arith.constant 0 : index
    %get3A_20 = arith.constant 0 : index
    %get3A_21 = vector.load %arg9[%get3A_19, %get3A_20] : memref<1x128xf32, #tpu.memory_space<vmem>>, vector<1x128xf32>
    %get3A_22 = vector.shape_cast %get3A_21 : vector<1x128xf32> to vector<128xf32>
    %mul3A_23 = arith.mulf %div3A_4, %mul3A_18 : vector<128xf32>
    %sub3A_24 = arith.subf %get3A_22, %mul3A_23 : vector<128xf32>
    %get3A_25 = arith.constant 0 : index
    %get3A_26 = arith.constant 0 : index
    %get3A_27 = arith.constant 0 : index
    %get3A_28 = vector.load %arg1[%get3A_25, %get3A_26, %get3A_27] : memref<200x32x128xi32, #tpu.memory_space<vmem>>, vector<200x32x128xi32>
    %reshape3A = vector.shape_cast %get3A_28 : vector<200x32x128xi32> to vector<6400x128xi32>
    %shift_left3A = arith.constant 16 : i32
    %shift_left3A_29 = vector.broadcast %shift_left3A : i32 to vector<6400x128xi32>
    %shift_left3A_30 = arith.shli %reshape3A, %shift_left3A_29 : vector<6400x128xi32>
    %bitcast_convert_type3A = tpu.bitcast %shift_left3A_30 : vector<6400x128xi32> -> vector<6400x128xf32>
    %and3A = arith.constant -65536 : i32
    %and3A_31 = vector.broadcast %and3A : i32 to vector<6400x128xi32>
    %and3A_32 = arith.andi %reshape3A, %and3A_31 : vector<6400x128xi32>
    %bitcast_convert_type3A_33 = tpu.bitcast %and3A_32 : vector<6400x128xi32> -> vector<6400x128xf32>
    %get3A_34 = arith.constant 0 : index
    %get3A_35 = arith.constant 0 : index
    %get3A_36 = vector.load %arg6[%get3A_34, %get3A_35] : memref<16x128xf32, #tpu.memory_space<vmem>>, vector<16x128xf32>
    %get3A_37 = arith.constant 0 : index
    %get3A_38 = arith.constant 0 : index
    %get3A_39 = arith.constant 0 : index
    %get3A_40 = vector.load %arg2[%get3A_37, %get3A_38, %get3A_39] : memref<200x32x16xf32, #tpu.memory_space<vmem>>, vector<200x32x16xf32>
    %reshape3A_41 = vector.shape_cast %get3A_40 : vector<200x32x16xf32> to vector<6400x16xf32>
    %dot_general3A = arith.constant dense<0.000000e+00> : vector<6400x128xf32>
    %dot_general3A_42 = tpu.matmul %reshape3A_41, %get3A_36, %dot_general3A {dimension_numbers = #tpu.dot_dimension_numbers<[1], [0], [0], [1], [0, 0, 1, 1], [], []>, transpose_lhs_hint = false} : vector<6400x16xf32>, vector<16x128xf32>, vector<6400x128xf32> -> vector<6400x128xf32>
    %get3A_43 = arith.constant 0 : index
    %get3A_44 = arith.constant 0 : index
    %get3A_45 = arith.constant 0 : index
    %get3A_46 = vector.load %arg3[%get3A_43, %get3A_44, %get3A_45] : memref<200x32x16xf32, #tpu.memory_space<vmem>>, vector<200x32x16xf32>
    %reshape3A_47 = vector.shape_cast %get3A_46 : vector<200x32x16xf32> to vector<6400x16xf32>
    %dot_general3A_48 = arith.constant dense<0.000000e+00> : vector<6400x128xf32>
    %dot_general3A_49 = tpu.matmul %reshape3A_47, %get3A_36, %dot_general3A_48 {dimension_numbers = #tpu.dot_dimension_numbers<[1], [0], [0], [1], [0, 0, 1, 1], [], []>, transpose_lhs_hint = false} : vector<6400x16xf32>, vector<16x128xf32>, vector<6400x128xf32> -> vector<6400x128xf32>
    %get3A_50 = arith.constant 0 : index
    %get3A_51 = arith.constant 0 : index
    %get3A_52 = vector.load %arg4[%get3A_50, %get3A_51] : memref<200x128xf32, #tpu.memory_space<vmem>>, vector<200x128xf32>
    %broadcast_in_dim3A = vector.shape_cast %get3A_52 : vector<200x128xf32> to vector<200x1x128xf32>
    %broadcast_in_dim3A_53 = vector.shape_cast %broadcast_in_dim3A : vector<200x1x128xf32> to vector<200x1x128xf32>
    %broadcast_in_dim3A_54 = vector.broadcast %broadcast_in_dim3A_53 : vector<200x1x128xf32> to vector<200x32x128xf32>
    %reshape3A_55 = vector.shape_cast %broadcast_in_dim3A_54 : vector<200x32x128xf32> to vector<6400x128xf32>
    %get3A_56 = arith.constant 0 : index
    %get3A_57 = arith.constant 0 : index
    %get3A_58 = vector.load %arg5[%get3A_56, %get3A_57] : memref<200x128xf32, #tpu.memory_space<vmem>>, vector<200x128xf32>
    %broadcast_in_dim3A_59 = vector.shape_cast %get3A_58 : vector<200x128xf32> to vector<200x1x128xf32>
    %broadcast_in_dim3A_60 = vector.shape_cast %broadcast_in_dim3A_59 : vector<200x1x128xf32> to vector<200x1x128xf32>
    %broadcast_in_dim3A_61 = vector.broadcast %broadcast_in_dim3A_60 : vector<200x1x128xf32> to vector<200x32x128xf32>
    %reshape3A_62 = vector.shape_cast %broadcast_in_dim3A_61 : vector<200x32x128xf32> to vector<6400x128xf32>
    %add3A_63 = arith.addf %bitcast_convert_type3A, %dot_general3A_42 : vector<6400x128xf32>
    %add3A_64 = arith.addf %add3A_63, %reshape3A_55 : vector<6400x128xf32>
    %add3A_65 = arith.addf %bitcast_convert_type3A_33, %dot_general3A_49 : vector<6400x128xf32>
    %add3A_66 = arith.addf %add3A_65, %reshape3A_62 : vector<6400x128xf32>
    %broadcast_in_dim3A_67 = vector.shape_cast %mul3A_18 : vector<128xf32> to vector<1x128xf32>
    %mul3A_68 = vector.broadcast %broadcast_in_dim3A_67 : vector<1x128xf32> to vector<6400x128xf32>
    %mul3A_69 = arith.mulf %add3A_64, %mul3A_68 : vector<6400x128xf32>
    %broadcast_in_dim3A_70 = vector.shape_cast %sub3A_24 : vector<128xf32> to vector<1x128xf32>
    %add3A_71 = vector.broadcast %broadcast_in_dim3A_70 : vector<1x128xf32> to vector<6400x128xf32>
    %add3A_72 = arith.addf %mul3A_69, %add3A_71 : vector<6400x128xf32>
    %logistic3A = arith.negf %add3A_72 : vector<6400x128xf32>
    %logistic3A_73 = math.exp %logistic3A : vector<6400x128xf32>
    %logistic3A_74 = arith.constant 1.000000e+00 : f32
    %logistic3A_75 = vector.broadcast %logistic3A_74 : f32 to vector<6400x128xf32>
    %logistic3A_76 = arith.addf %logistic3A_75, %logistic3A_73 : vector<6400x128xf32>
    %logistic3A_77 = arith.divf %logistic3A_75, %logistic3A_76 : vector<6400x128xf32>
    %broadcast_in_dim3A_78 = vector.shape_cast %mul3A_18 : vector<128xf32> to vector<1x128xf32>
    %mul3A_79 = vector.broadcast %broadcast_in_dim3A_78 : vector<1x128xf32> to vector<6400x128xf32>
    %mul3A_80 = arith.mulf %add3A_66, %mul3A_79 : vector<6400x128xf32>
    %broadcast_in_dim3A_81 = vector.shape_cast %sub3A_24 : vector<128xf32> to vector<1x128xf32>
    %add3A_82 = vector.broadcast %broadcast_in_dim3A_81 : vector<1x128xf32> to vector<6400x128xf32>
    %add3A_83 = arith.addf %mul3A_80, %add3A_82 : vector<6400x128xf32>
    %logistic3A_84 = arith.negf %add3A_83 : vector<6400x128xf32>
    %logistic3A_85 = math.exp %logistic3A_84 : vector<6400x128xf32>
    %logistic3A_86 = arith.constant 1.000000e+00 : f32
    %logistic3A_87 = vector.broadcast %logistic3A_86 : f32 to vector<6400x128xf32>
    %logistic3A_88 = arith.addf %logistic3A_87, %logistic3A_85 : vector<6400x128xf32>
    %logistic3A_89 = arith.divf %logistic3A_87, %logistic3A_88 : vector<6400x128xf32>
    %mul3A_90 = arith.mulf %logistic3A_77, %logistic3A_77 : vector<6400x128xf32>
    %reshape3A_91 = vector.shape_cast %mul3A_90 : vector<6400x128xf32> to vector<200x32x128xf32>
    %reduce_sum3A = arith.constant dense<0.000000e+00> : vector<200x128xf32>
    %reduce_sum3A_92 = vector.multi_reduction <add>, %reshape3A_91, %reduce_sum3A [1] : vector<200x32x128xf32> to vector<200x128xf32>
    %mul3A_93 = arith.mulf %logistic3A_89, %logistic3A_89 : vector<6400x128xf32>
    %reshape3A_94 = vector.shape_cast %mul3A_93 : vector<6400x128xf32> to vector<200x32x128xf32>
    %reduce_sum3A_95 = arith.constant dense<0.000000e+00> : vector<200x128xf32>
    %reduce_sum3A_96 = vector.multi_reduction <add>, %reshape3A_94, %reduce_sum3A_95 [1] : vector<200x32x128xf32> to vector<200x128xf32>
    %swap3A = arith.constant 0 : index
    %swap3A_97 = arith.constant 0 : index
    %swap3A_98 = vector.load %arg10[%swap3A, %swap3A_97] : memref<200x128xf32, #tpu.memory_space<vmem>>, vector<200x128xf32>
    tpu.vector_store %arg10[%swap3A, %swap3A_97], %reduce_sum3A_92 {strides = array<i32>} : memref<200x128xf32, #tpu.memory_space<vmem>>, vector<200x128xf32>,
    %swap3A_99 = arith.constant 0 : index
    %swap3A_100 = arith.constant 0 : index
    %swap3A_101 = vector.load %arg11[%swap3A_99, %swap3A_100] : memref<200x128xf32, #tpu.memory_space<vmem>>, vector<200x128xf32>
    tpu.vector_store %arg11[%swap3A_99, %swap3A_100], %reduce_sum3A_96 {strides = array<i32>} : memref<200x128xf32, #tpu.memory_space<vmem>>, vector<200x128xf32>,
    %reduce_sum3A_102 = arith.constant dense<0.000000e+00> : vector<128xf32>
    %reduce_sum3A_103 = vector.multi_reduction <add>, %reduce_sum3A_92, %reduce_sum3A_102 [0] : vector<200x128xf32> to vector<128xf32>
    %reduce_sum3A_104 = arith.constant dense<0.000000e+00> : vector<128xf32>
    %reduce_sum3A_105 = vector.multi_reduction <add>, %reduce_sum3A_96, %reduce_sum3A_104 [0] : vector<200x128xf32> to vector<128xf32>
    %add3A_106 = arith.addf %reduce_sum3A_103, %reduce_sum3A_105 : vector<128xf32>
    %mul3A_107 = arith.mulf %reduce_sum3A_92, %reduce_sum3A_92 : vector<200x128xf32>
    %reduce_sum3A_108 = arith.constant dense<0.000000e+00> : vector<128xf32>
    %reduce_sum3A_109 = vector.multi_reduction <add>, %mul3A_107, %reduce_sum3A_108 [0] : vector<200x128xf32> to vector<128xf32>
    %mul3A_110 = arith.mulf %reduce_sum3A_96, %reduce_sum3A_96 : vector<200x128xf32>
    %reduce_sum3A_111 = arith.constant dense<0.000000e+00> : vector<128xf32>
    %reduce_sum3A_112 = vector.multi_reduction <add>, %mul3A_110, %reduce_sum3A_111 [0] : vector<200x128xf32> to vector<128xf32>
    %add3A_113 = arith.addf %reduce_sum3A_109, %reduce_sum3A_112 : vector<128xf32>
    %broadcast_in_dim3A_114 = vector.shape_cast %add3A_106 : vector<128xf32> to vector<1x128xf32>
    %broadcast_in_dim3A_115 = vector.shape_cast %add3A_113 : vector<128xf32> to vector<1x128xf32>
    %broadcast_in_dim3A_116 = arith.constant 0.000000e+00 : f32
    %broadcast_in_dim3A_117 = vector.broadcast %broadcast_in_dim3A_116 : f32 to vector<6x128xf32>
    %concatenate3A = tpu.concatenate %broadcast_in_dim3A_114, %broadcast_in_dim3A_115, %broadcast_in_dim3A_117 in 0 : vector<1x128xf32>, vector<1x128xf32>, vector<6x128xf32> -> vector<8x128xf32>
    %eq3A = arith.constant 0 : i32
    %eq3A_118 = arith.cmpi eq, %arg0, %eq3A : i32
    %convert_element_type3A = arith.extui %eq3A_118 : i1 to i32
    %cond3A = arith.constant 0 : i32
    %cond3A_119 = arith.cmpi ne, %convert_element_type3A, %cond3A : i32
    scf.if %cond3A_119 {
      %swap3A_124 = arith.constant 0 : index
      %swap3A_125 = arith.constant 0 : index
      %swap3A_126 = vector.load %arg12[%swap3A_124, %swap3A_125] : memref<8x128xf32, #tpu.memory_space<vmem>>, vector<8x128xf32>
      tpu.vector_store %arg12[%swap3A_124, %swap3A_125], %concatenate3A {strides = array<i32>} : memref<8x128xf32, #tpu.memory_space<vmem>>, vector<8x128xf32>,
    } else {
    }
    %ne3A = arith.constant 0 : i32
    %ne3A_120 = arith.cmpi ne, %arg0, %ne3A : i32
    %convert_element_type3A_121 = arith.extui %ne3A_120 : i1 to i32
    %cond3A_122 = arith.constant 0 : i32
    %cond3A_123 = arith.cmpi ne, %convert_element_type3A_121, %cond3A_122 : i32
    scf.if %cond3A_123 {
      %get3A_124 = arith.constant 0 : index
      %get3A_125 = arith.constant 0 : index
      %get3A_126 = vector.load %arg12[%get3A_124, %get3A_125] : memref<8x128xf32, #tpu.memory_space<vmem>>, vector<8x128xf32>
      %add3A_127 = arith.addf %get3A_126, %concatenate3A : vector<8x128xf32>
      %swap3A_128 = arith.constant 0 : index
      %swap3A_129 = arith.constant 0 : index
      %swap3A_130 = vector.load %arg12[%swap3A_128, %swap3A_129] : memref<8x128xf32, #tpu.memory_space<vmem>>, vector<8x128xf32>
      tpu.vector_store %arg12[%swap3A_128, %swap3A_129], %add3A_127 {strides = array<i32>} : memref<8x128xf32, #tpu.memory_space<vmem>>, vector<8x128xf32>,
    } else {
    }
    return
  }
  func.func @transform_0(%arg0: i32) -> (i32, i32, i32) {
    %c0_i32 = arith.constant 0 : i32
    %c0_i32_0 = arith.constant 0 : i32
    %c0_i32_1 = arith.constant 0 : i32
    return %arg0, %c0_i32, %c0_i32_0 : i32, i32, i32
  }
  func.func @transform_1(%arg0: i32) -> (i32, i32, i32) {
    %c0_i32 = arith.constant 0 : i32
    %c0_i32_0 = arith.constant 0 : i32
    %c0_i32_1 = arith.constant 0 : i32
    return %arg0, %c0_i32, %c0_i32_0 : i32, i32, i32
  }
  func.func @transform_2(%arg0: i32) -> (i32, i32, i32) {
    %add3A = arith.constant 25 : i32
    %add3A_0 = arith.addi %add3A, %arg0 : i32
    %c0_i32 = arith.constant 0 : i32
    %c0_i32_1 = arith.constant 0 : i32
    %c0_i32_2 = arith.constant 0 : i32
    return %add3A_0, %c0_i32, %c0_i32_1 : i32, i32, i32
  }
  func.func @transform_3(%arg0: i32) -> (i32, i32) {
    %c0_i32 = arith.constant 0 : i32
    %c0_i32_0 = arith.constant 0 : i32
    return %arg0, %c0_i32 : i32, i32
  }
  func.func @transform_4(%arg0: i32) -> (i32, i32) {
    %add3A = arith.constant 25 : i32
    %add3A_0 = arith.addi %add3A, %arg0 : i32
    %c0_i32 = arith.constant 0 : i32
    %c0_i32_1 = arith.constant 0 : i32
    return %add3A_0, %c0_i32 : i32, i32
  }
  func.func @transform_5(%arg0: i32) -> (i32, i32) {
    %c0_i32 = arith.constant 0 : i32
    %c0_i32_0 = arith.constant 0 : i32
    %c0_i32_1 = arith.constant 0 : i32
    return %c0_i32, %c0_i32_0 : i32, i32
  }
  func.func @transform_6(%arg0: i32) -> (i32, i32) {
    %c0_i32 = arith.constant 0 : i32
    %c0_i32_0 = arith.constant 0 : i32
    %c0_i32_1 = arith.constant 0 : i32
    return %c0_i32, %c0_i32_0 : i32, i32
  }
  func.func @transform_7(%arg0: i32) -> (i32, i32) {
    %c0_i32 = arith.constant 0 : i32
    %c0_i32_0 = arith.constant 0 : i32
    %c0_i32_1 = arith.constant 0 : i32
    return %c0_i32, %c0_i32_0 : i32, i32
  }
  func.func @transform_8(%arg0: i32) -> (i32, i32) {
    %c0_i32 = arith.constant 0 : i32
    %c0_i32_0 = arith.constant 0 : i32
    %c0_i32_1 = arith.constant 0 : i32
    return %c0_i32, %c0_i32_0 : i32, i32
  }
  func.func @transform_9(%arg0: i32) -> (i32, i32) {
    %c0_i32 = arith.constant 0 : i32
    %c0_i32_0 = arith.constant 0 : i32
    return %arg0, %c0_i32 : i32, i32
  }
  func.func @transform_10(%arg0: i32) -> (i32, i32) {
    %c0_i32 = arith.constant 0 : i32
    %c0_i32_0 = arith.constant 0 : i32
    return %arg0, %c0_i32 : i32, i32
  }
  func.func @transform_11(%arg0: i32) -> (i32, i32) {
    %c0_i32 = arith.constant 0 : i32
    %c0_i32_0 = arith.constant 0 : i32
    %c0_i32_1 = arith.constant 0 : i32
    return %c0_i32, %c0_i32_0 : i32, i32
  }
}

module attributes {stable_mosaic.version = 14 : i64} {
  func.func @_k5_body(%arg0: i32, %arg1: memref<1000x128xf32, #tpu.memory_space<vmem>>, %arg2: memref<1000x128xf32, #tpu.memory_space<vmem>>, %arg3: memref<8x128xf32, #tpu.memory_space<vmem>>, %arg4: memref<1x128xf32, #tpu.memory_space<vmem>>, %arg5: memref<1x128xf32, #tpu.memory_space<vmem>>, %arg6: memref<1000x128xf32, #tpu.memory_space<vmem>>) attributes {dimension_semantics = [#tpu.dimension_semantics<arbitrary>], iteration_bounds = array<i64: 5>, scalar_prefetch = 0 : i64, scratch_operands = 0 : i64, tpu.core_type = #tpu.core_type<tc>, window_params = [{transform_indices = @transform_0, window_bounds = array<i64: 1000, 128>}, {transform_indices = @transform_1, window_bounds = array<i64: 1000, 128>}, {pipeline_mode = #tpu.pipeline_mode<synchronous>, transform_indices = @transform_2, window_bounds = array<i64: 8, 128>}, {pipeline_mode = #tpu.pipeline_mode<synchronous>, transform_indices = @transform_3, window_bounds = array<i64: 1, 128>}, {pipeline_mode = #tpu.pipeline_mode<synchronous>, transform_indices = @transform_4, window_bounds = array<i64: 1, 128>}, {transform_indices = @transform_5, window_bounds = array<i64: 1000, 128>}]} {
    %get3A = arith.constant 0 : index
    %get3A_0 = arith.constant 0 : index
    %get3A_1 = vector.load %arg3[%get3A, %get3A_0] : memref<8x128xf32, #tpu.memory_space<vmem>>, vector<1x128xf32>
    %get3A_2 = vector.shape_cast %get3A_1 : vector<1x128xf32> to vector<128xf32>
    %div3A = arith.constant 1.000000e+04 : f32
    %div3A_3 = vector.broadcast %div3A : f32 to vector<128xf32>
    %div3A_4 = arith.divf %get3A_2, %div3A_3 : vector<128xf32>
    %get3A_5 = arith.constant 1 : index
    %get3A_6 = arith.constant 0 : index
    %get3A_7 = vector.load %arg3[%get3A_5, %get3A_6] : memref<8x128xf32, #tpu.memory_space<vmem>>, vector<1x128xf32>
    %get3A_8 = vector.shape_cast %get3A_7 : vector<1x128xf32> to vector<128xf32>
    %div3A_9 = arith.constant 1.000000e+04 : f32
    %div3A_10 = vector.broadcast %div3A_9 : f32 to vector<128xf32>
    %div3A_11 = arith.divf %get3A_8, %div3A_10 : vector<128xf32>
    %mul3A = arith.mulf %div3A_4, %div3A_4 : vector<128xf32>
    %sub3A = arith.subf %div3A_11, %mul3A : vector<128xf32>
    %get3A_12 = arith.constant 0 : index
    %get3A_13 = arith.constant 0 : index
    %get3A_14 = vector.load %arg4[%get3A_12, %get3A_13] : memref<1x128xf32, #tpu.memory_space<vmem>>, vector<1x128xf32>
    %get3A_15 = vector.shape_cast %get3A_14 : vector<1x128xf32> to vector<128xf32>
    %add3A = arith.constant 9.99999974E-6 : f32
    %add3A_16 = vector.broadcast %add3A : f32 to vector<128xf32>
    %add3A_17 = arith.addf %sub3A, %add3A_16 : vector<128xf32>
    %rsqrt3A = math.rsqrt %add3A_17 : vector<128xf32>
    %mul3A_18 = arith.mulf %get3A_15, %rsqrt3A : vector<128xf32>
    %get3A_19 = arith.constant 0 : index
    %get3A_20 = arith.constant 0 : index
    %get3A_21 = vector.load %arg5[%get3A_19, %get3A_20] : memref<1x128xf32, #tpu.memory_space<vmem>>, vector<1x128xf32>
    %get3A_22 = vector.shape_cast %get3A_21 : vector<1x128xf32> to vector<128xf32>
    %mul3A_23 = arith.mulf %div3A_4, %mul3A_18 : vector<128xf32>
    %sub3A_24 = arith.subf %get3A_22, %mul3A_23 : vector<128xf32>
    %get3A_25 = arith.constant 0 : index
    %get3A_26 = arith.constant 0 : index
    %get3A_27 = vector.load %arg1[%get3A_25, %get3A_26] : memref<1000x128xf32, #tpu.memory_space<vmem>>, vector<1000x128xf32>
    %get3A_28 = arith.constant 0 : index
    %get3A_29 = arith.constant 0 : index
    %get3A_30 = vector.load %arg2[%get3A_28, %get3A_29] : memref<1000x128xf32, #tpu.memory_space<vmem>>, vector<1000x128xf32>
    %broadcast_in_dim3A = vector.shape_cast %mul3A_18 : vector<128xf32> to vector<1x128xf32>
    %mul3A_31 = vector.broadcast %broadcast_in_dim3A : vector<1x128xf32> to vector<1000x128xf32>
    %mul3A_32 = arith.mulf %get3A_30, %mul3A_31 : vector<1000x128xf32>
    %add3A_33 = arith.addf %get3A_27, %mul3A_32 : vector<1000x128xf32>
    %broadcast_in_dim3A_34 = vector.shape_cast %sub3A_24 : vector<128xf32> to vector<1x128xf32>
    %add3A_35 = vector.broadcast %broadcast_in_dim3A_34 : vector<1x128xf32> to vector<1000x128xf32>
    %add3A_36 = arith.addf %add3A_33, %add3A_35 : vector<1000x128xf32>
    %max3A = arith.constant 0.000000e+00 : f32
    %max3A_37 = vector.broadcast %max3A : f32 to vector<1000x128xf32>
    %max3A_38 = arith.maximumf %add3A_36, %max3A_37 : vector<1000x128xf32>
    %abs3A = math.absf %add3A_36 : vector<1000x128xf32>
    %neg3A = arith.constant 0.000000e+00 : f32
    %neg3A_39 = vector.broadcast %neg3A : f32 to vector<1000x128xf32>
    %neg3A_40 = arith.subf %neg3A_39, %abs3A : vector<1000x128xf32>
    %exp3A = math.exp %neg3A_40 : vector<1000x128xf32>
    %log1p3A = math.log1p %exp3A : vector<1000x128xf32>
    %add3A_41 = arith.addf %max3A_38, %log1p3A : vector<1000x128xf32>
    %swap3A = arith.constant 0 : index
    %swap3A_42 = arith.constant 0 : index
    %swap3A_43 = vector.load %arg6[%swap3A, %swap3A_42] : memref<1000x128xf32, #tpu.memory_space<vmem>>, vector<1000x128xf32>
    tpu.vector_store %arg6[%swap3A, %swap3A_42], %add3A_41 {strides = array<i32>} : memref<1000x128xf32, #tpu.memory_space<vmem>>, vector<1000x128xf32>,
    return
  }
  func.func @transform_0(%arg0: i32) -> (i32, i32) {
    %add3A = arith.constant 0 : i32
    %add3A_0 = arith.addi %add3A, %arg0 : i32
    %c0_i32 = arith.constant 0 : i32
    %c0_i32_1 = arith.constant 0 : i32
    return %add3A_0, %c0_i32 : i32, i32
  }
  func.func @transform_1(%arg0: i32) -> (i32, i32) {
    %c0_i32 = arith.constant 0 : i32
    %c0_i32_0 = arith.constant 0 : i32
    return %arg0, %c0_i32 : i32, i32
  }
  func.func @transform_2(%arg0: i32) -> (i32, i32) {
    %c0_i32 = arith.constant 0 : i32
    %c0_i32_0 = arith.constant 0 : i32
    %c0_i32_1 = arith.constant 0 : i32
    return %c0_i32, %c0_i32_0 : i32, i32
  }
  func.func @transform_3(%arg0: i32) -> (i32, i32) {
    %c0_i32 = arith.constant 0 : i32
    %c0_i32_0 = arith.constant 0 : i32
    %c0_i32_1 = arith.constant 0 : i32
    return %c0_i32, %c0_i32_0 : i32, i32
  }
  func.func @transform_4(%arg0: i32) -> (i32, i32) {
    %c0_i32 = arith.constant 0 : i32
    %c0_i32_0 = arith.constant 0 : i32
    %c0_i32_1 = arith.constant 0 : i32
    return %c0_i32, %c0_i32_0 : i32, i32
  }
  func.func @transform_5(%arg0: i32) -> (i32, i32) {
    %c0_i32 = arith.constant 0 : i32
    %c0_i32_0 = arith.constant 0 : i32
    return %arg0, %c0_i32 : i32, i32
  }
}

module attributes {stable_mosaic.version = 14 : i64} {
  func.func @_k5_body(%arg0: i32, %arg1: memref<1000x128xf32, #tpu.memory_space<vmem>>, %arg2: memref<1000x128xf32, #tpu.memory_space<vmem>>, %arg3: memref<8x128xf32, #tpu.memory_space<vmem>>, %arg4: memref<1x128xf32, #tpu.memory_space<vmem>>, %arg5: memref<1x128xf32, #tpu.memory_space<vmem>>, %arg6: memref<1000x128xf32, #tpu.memory_space<vmem>>) attributes {dimension_semantics = [#tpu.dimension_semantics<arbitrary>], iteration_bounds = array<i64: 5>, scalar_prefetch = 0 : i64, scratch_operands = 0 : i64, tpu.core_type = #tpu.core_type<tc>, window_params = [{transform_indices = @transform_0, window_bounds = array<i64: 1000, 128>}, {transform_indices = @transform_1, window_bounds = array<i64: 1000, 128>}, {pipeline_mode = #tpu.pipeline_mode<synchronous>, transform_indices = @transform_2, window_bounds = array<i64: 8, 128>}, {pipeline_mode = #tpu.pipeline_mode<synchronous>, transform_indices = @transform_3, window_bounds = array<i64: 1, 128>}, {pipeline_mode = #tpu.pipeline_mode<synchronous>, transform_indices = @transform_4, window_bounds = array<i64: 1, 128>}, {transform_indices = @transform_5, window_bounds = array<i64: 1000, 128>}]} {
    %get3A = arith.constant 0 : index
    %get3A_0 = arith.constant 0 : index
    %get3A_1 = vector.load %arg3[%get3A, %get3A_0] : memref<8x128xf32, #tpu.memory_space<vmem>>, vector<1x128xf32>
    %get3A_2 = vector.shape_cast %get3A_1 : vector<1x128xf32> to vector<128xf32>
    %div3A = arith.constant 1.000000e+04 : f32
    %div3A_3 = vector.broadcast %div3A : f32 to vector<128xf32>
    %div3A_4 = arith.divf %get3A_2, %div3A_3 : vector<128xf32>
    %get3A_5 = arith.constant 1 : index
    %get3A_6 = arith.constant 0 : index
    %get3A_7 = vector.load %arg3[%get3A_5, %get3A_6] : memref<8x128xf32, #tpu.memory_space<vmem>>, vector<1x128xf32>
    %get3A_8 = vector.shape_cast %get3A_7 : vector<1x128xf32> to vector<128xf32>
    %div3A_9 = arith.constant 1.000000e+04 : f32
    %div3A_10 = vector.broadcast %div3A_9 : f32 to vector<128xf32>
    %div3A_11 = arith.divf %get3A_8, %div3A_10 : vector<128xf32>
    %mul3A = arith.mulf %div3A_4, %div3A_4 : vector<128xf32>
    %sub3A = arith.subf %div3A_11, %mul3A : vector<128xf32>
    %get3A_12 = arith.constant 0 : index
    %get3A_13 = arith.constant 0 : index
    %get3A_14 = vector.load %arg4[%get3A_12, %get3A_13] : memref<1x128xf32, #tpu.memory_space<vmem>>, vector<1x128xf32>
    %get3A_15 = vector.shape_cast %get3A_14 : vector<1x128xf32> to vector<128xf32>
    %add3A = arith.constant 9.99999974E-6 : f32
    %add3A_16 = vector.broadcast %add3A : f32 to vector<128xf32>
    %add3A_17 = arith.addf %sub3A, %add3A_16 : vector<128xf32>
    %rsqrt3A = math.rsqrt %add3A_17 : vector<128xf32>
    %mul3A_18 = arith.mulf %get3A_15, %rsqrt3A : vector<128xf32>
    %get3A_19 = arith.constant 0 : index
    %get3A_20 = arith.constant 0 : index
    %get3A_21 = vector.load %arg5[%get3A_19, %get3A_20] : memref<1x128xf32, #tpu.memory_space<vmem>>, vector<1x128xf32>
    %get3A_22 = vector.shape_cast %get3A_21 : vector<1x128xf32> to vector<128xf32>
    %mul3A_23 = arith.mulf %div3A_4, %mul3A_18 : vector<128xf32>
    %sub3A_24 = arith.subf %get3A_22, %mul3A_23 : vector<128xf32>
    %get3A_25 = arith.constant 0 : index
    %get3A_26 = arith.constant 0 : index
    %get3A_27 = vector.load %arg1[%get3A_25, %get3A_26] : memref<1000x128xf32, #tpu.memory_space<vmem>>, vector<1000x128xf32>
    %get3A_28 = arith.constant 0 : index
    %get3A_29 = arith.constant 0 : index
    %get3A_30 = vector.load %arg2[%get3A_28, %get3A_29] : memref<1000x128xf32, #tpu.memory_space<vmem>>, vector<1000x128xf32>
    %broadcast_in_dim3A = vector.shape_cast %mul3A_18 : vector<128xf32> to vector<1x128xf32>
    %mul3A_31 = vector.broadcast %broadcast_in_dim3A : vector<1x128xf32> to vector<1000x128xf32>
    %mul3A_32 = arith.mulf %get3A_30, %mul3A_31 : vector<1000x128xf32>
    %add3A_33 = arith.addf %get3A_27, %mul3A_32 : vector<1000x128xf32>
    %broadcast_in_dim3A_34 = vector.shape_cast %sub3A_24 : vector<128xf32> to vector<1x128xf32>
    %add3A_35 = vector.broadcast %broadcast_in_dim3A_34 : vector<1x128xf32> to vector<1000x128xf32>
    %add3A_36 = arith.addf %add3A_33, %add3A_35 : vector<1000x128xf32>
    %max3A = arith.constant 0.000000e+00 : f32
    %max3A_37 = vector.broadcast %max3A : f32 to vector<1000x128xf32>
    %max3A_38 = arith.maximumf %add3A_36, %max3A_37 : vector<1000x128xf32>
    %abs3A = math.absf %add3A_36 : vector<1000x128xf32>
    %neg3A = arith.constant 0.000000e+00 : f32
    %neg3A_39 = vector.broadcast %neg3A : f32 to vector<1000x128xf32>
    %neg3A_40 = arith.subf %neg3A_39, %abs3A : vector<1000x128xf32>
    %exp3A = math.exp %neg3A_40 : vector<1000x128xf32>
    %log1p3A = math.log1p %exp3A : vector<1000x128xf32>
    %add3A_41 = arith.addf %max3A_38, %log1p3A : vector<1000x128xf32>
    %swap3A = arith.constant 0 : index
    %swap3A_42 = arith.constant 0 : index
    %swap3A_43 = vector.load %arg6[%swap3A, %swap3A_42] : memref<1000x128xf32, #tpu.memory_space<vmem>>, vector<1000x128xf32>
    tpu.vector_store %arg6[%swap3A, %swap3A_42], %add3A_41 {strides = array<i32>} : memref<1000x128xf32, #tpu.memory_space<vmem>>, vector<1000x128xf32>,
    return
  }
  func.func @transform_0(%arg0: i32) -> (i32, i32) {
    %add3A = arith.constant 5 : i32
    %add3A_0 = arith.addi %add3A, %arg0 : i32
    %c0_i32 = arith.constant 0 : i32
    %c0_i32_1 = arith.constant 0 : i32
    return %add3A_0, %c0_i32 : i32, i32
  }
  func.func @transform_1(%arg0: i32) -> (i32, i32) {
    %c0_i32 = arith.constant 0 : i32
    %c0_i32_0 = arith.constant 0 : i32
    return %arg0, %c0_i32 : i32, i32
  }
  func.func @transform_2(%arg0: i32) -> (i32, i32) {
    %c0_i32 = arith.constant 0 : i32
    %c0_i32_0 = arith.constant 0 : i32
    %c0_i32_1 = arith.constant 0 : i32
    return %c0_i32, %c0_i32_0 : i32, i32
  }
  func.func @transform_3(%arg0: i32) -> (i32, i32) {
    %c0_i32 = arith.constant 0 : i32
    %c0_i32_0 = arith.constant 0 : i32
    %c0_i32_1 = arith.constant 0 : i32
    return %c0_i32, %c0_i32_0 : i32, i32
  }
  func.func @transform_4(%arg0: i32) -> (i32, i32) {
    %c0_i32 = arith.constant 0 : i32
    %c0_i32_0 = arith.constant 0 : i32
    %c0_i32_1 = arith.constant 0 : i32
    return %c0_i32, %c0_i32_0 : i32, i32
  }
  func.func @transform_5(%arg0: i32) -> (i32, i32) {
    %c0_i32 = arith.constant 0 : i32
    %c0_i32_0 = arith.constant 0 : i32
    return %arg0, %c0_i32 : i32, i32
  }
}

</mosaic_0001>

<sc_bundles>
// kernel: kernel.8.cloned.1.call-start
scs
__scs_entry_jumppad:
0x0: {  	(pc) =	sbr.rel $0x88, $3  }
0x1: {  	(tag) =	ssettag $0x0;
	lr =	simm.s32 $0x1  }
0x2: {  	[smem:$0x3F98] =	sst lr;
	_ =	strace $0xD0000000  }
0x3: {  	_ = 	snop  }
0x4: {  	_ = 	snop  }
0x5: {  	_ = 	snop  }
0x6: {  	_ = 	snop  }
0x7: {  	_ = 	snop  }
__scs_overlays_trampoline_lowered:
0x8: {  	[smem:$0x3FA7] =	sst s0  }
0x9: {  	[smem:$0x3FA8] =	sst s1  }
0xa: {  	[smem:$0x3FA9] =	sst s2  }
0xb: {  	[smem:$0x3FAA] =	sst s3  }
0xc: {  	[smem:$0x3FAB] =	sst s4  }
0xd: {  	[smem:$0x3FAC] =	sst s5  }
0xe: {  	[smem:$0x3FAD] =	sst s6  }
0xf: {  	[smem:$0x3FAE] =	sst s7  }
0x10: {  	[smem:$0x3FAF] =	sst s8  }
0x11: {  	[smem:$0x3FB0] =	sst s9;
	s0 =	simm.s32 @!p0 $0x0  }
0x12: {  	s1 =	sld [smem:$0x3F96];
	s0 =	simm.s32 @p0 $0x1  }
0x13: {  	[smem:$0x3FB1] =	sst s0;
	s0 =	simm.s32 @!p1 $0x0  }
0x14: {  	s2 =	sld [smem:$0x3F95];
	s0 =	simm.s32 @p1 $0x1  }
0x15: {  	[smem:$0x3FB2] =	sst s0;
	s0 =	simm.s32 @!p2 $0x0  }
0x16: {  	s3 =	sld [smem:$0x3FDB];
	s0 =	simm.s32 @p2 $0x1  }
0x17: {  	s4 =	simm.s32 $0x1BF5;
	[smem:$0x3FB4] =	sst s0  }
0x18: {  	s0 =	sld [smem:$0x3F97];
	_ =	swait.ge [sflag:s4], $0x0  }
0x19: {  	s7 =	sld [smem:$0x3F98]  }
0x1a: {  	s8 =	sadd.s32 $0xFFFFE003, lr  }
0x1b: {  	s9 =	sadd.s32 $0xFFFFFEF7, lr;
	s5 =	simm.s32 $0xFFFFFFFF;
	p2 =	slt.u32 s8, $0xFFFFF086  }
0x1c: {  	p1 =	slt.u32 s9, $0xF7A;
	s5 =	simm.s32 @!p2 $0x0  }
0x1d: {  	s5 =	simm.s32 @p1 $0x1;
	p0 =	seq.s32 s7, s2  }
0x1e: {  	s7 =	smul.u32 @!p0 $0xF7A, s2;
	p2 =	seq.s32 @!p0 s5, $0x0  }
0x1f: {  	s9 =	smul.u32 $0xF7A, s1;
	s8 =	simm.s32 @!p0 $0x1BF5;
	p2 =	por !p2, p0  }
0x20: {  	[sflag:s8] =	ssyncset.s32 @!p0 $0xFFFFF086;
	s6 =	sadd.s32 @!p0 s3, s7;
	s7 =	simm.s32 @!p0 $0x108  }
0x21: {  	s3 =	sadd.s32 s3, s9;
	s6 =	sadd.s32 @!p0 $0x88, s6;
	s7 =	simm.s32 @p2 $0x1082  }
0x22: {  	[simem:s7], [sflag:s8] =	dma.local @!p0 [hbm:s6], $0xF7A  }
0x23: {  	s9 =	sor.u32 $0xD0000000, s2;
	s6 =	simm.s32 $0x108;
	_ =	swait.ge @!p0 [sflag:s8], $0x0  }
0x24: {  	s3 =	sadd.s32 $0x88, s3;
	s6 =	simm.s32 @!p1 $0x1082;
	[sflag:s4] =	ssyncset.s32 $0xFFFFF086  }
0x25: {  	[simem:s6], [sflag:s4] =	dma.local [hbm:s3], $0xF7A  }
0x26: {  	[smem:$0x3F98] =	sst s1;
	(tag) =	ssettag s2;
	_ =	strace s9  }
0x27: {  	s1 =	sld [smem:$0x3FA8]  }
0x28: {  	s2 =	sld [smem:$0x3FA9]  }
0x29: {  	s4 =	sld [smem:$0x3FAB]  }
0x2a: {  	p0 =	seq.s32 s5, $0x0;
	s5 =	sld [smem:$0x3FAC]  }
0x2b: {  	s6 =	sld [smem:$0x3FAD]  }
0x2c: {  	s7 =	sld [smem:$0x3FAE]  }
0x2d: {  	s3 =	simm.s32 $0x108;
	s8 =	sld [smem:$0x3FAF]  }
0x2e: {  	s3 =	simm.s32 @!p0 $0x1082;
	s9 =	sld [smem:$0x3FB0]  }
0x2f: {  	lr =	sadd.s32 s0, s3;
	s0 =	sld [smem:$0x3FA7]  }
0x30: {  	s3 =	sld [smem:$0x3FAA]  }
0x31: {  	[smem:$0x3FB3] =	sst s10  }
0x32: {  	s10 =	sld [smem:$0x3FB1];
	_ =	sdelay $0x3  }
0x33: {  	p0 =	seq.s32 s10, $0x1;
	s10 =	sld [smem:$0x3FB3];
	_ =	sdelay $0x3  }
0x34: {  	[smem:$0x3FB3] =	sst s10  }
0x35: {  	s10 =	sld [smem:$0x3FB2];
	_ =	sdelay $0x3  }
0x36: {  	p1 =	seq.s32 s10, $0x1;
	s10 =	sld [smem:$0x3FB3];
	_ =	sdelay $0x3  }
0x37: {  	[smem:$0x3FB3] =	sst s10  }
0x38: {  	s10 =	sld [smem:$0x3FB4]  }
0x39: {  	_ = 	snop;
	(pc) =	sbr.ind lr, $3  }
0x3a: {  	_ = 	snop  }
0x3b: {  	_ = 	snop  }
0x3c: {  	p2 =	seq.s32 s10, $0x1;
	s10 =	sld [smem:$0x3FB3]  }
0x3d: {  	_ =	shalt  }
0x3e: {  	_ =	shalt  }
0x3f: {  	_ =	shalt  }
0x40: {  	_ =	shalt  }
0x41: {  	_ =	shalt  }
0x42: {  	_ =	shalt  }
0x43: {  	_ =	shalt  }
0x44: {  	_ =	shalt  }
0x45: {  	_ =	shalt  }
0x46: {  	_ =	shalt  }
0x47: {  	_ =	shalt  }
0x48: {  	_ =	shalt  }
0x49: {  	_ =	shalt  }
0x4a: {  	_ =	shalt  }
0x4b: {  	_ =	shalt  }
0x4c: {  	_ =	shalt  }
0x4d: {  	_ =	shalt  }
0x4e: {  	_ =	shalt  }
0x4f: {  	_ =	shalt  }
0x50: {  	_ =	shalt  }
0x51: {  	_ =	shalt  }
0x52: {  	_ =	shalt  }
0x53: {  	_ =	shalt  }
0x54: {  	_ =	shalt  }
0x55: {  	_ =	shalt  }
0x56: {  	_ =	shalt  }
0x57: {  	_ =	shalt  }
0x58: {  	_ =	shalt  }
0x59: {  	_ =	shalt  }
0x5a: {  	_ =	shalt  }
0x5b: {  	_ =	shalt  }
0x5c: {  	_ =	shalt  }
0x5d: {  	_ =	shalt  }
0x5e: {  	_ =	shalt  }
0x5f: {  	_ =	shalt  }
0x60: {  	_ =	shalt  }
0x61: {  	_ =	shalt  }
0x62: {  	_ =	shalt  }
0x63: {  	_ =	shalt  }
0x64: {  	_ =	shalt  }
0x65: {  	_ =	shalt  }
0x66: {  	_ =	shalt  }
0x67: {  	_ =	shalt  }
0x68: {  	_ =	shalt  }
0x69: {  	_ =	shalt  }
0x6a: {  	_ =	shalt  }
0x6b: {  	_ =	shalt  }
0x6c: {  	_ =	shalt  }
0x6d: {  	_ =	shalt  }
0x6e: {  	_ =	shalt  }
0x6f: {  	_ =	shalt  }
0x70: {  	_ =	shalt  }
0x71: {  	_ =	shalt  }
0x72: {  	_ =	shalt  }
0x73: {  	_ =	shalt  }
0x74: {  	_ =	shalt  }
0x75: {  	_ =	shalt  }
0x76: {  	_ =	shalt  }
0x77: {  	_ =	shalt  }
0x78: {  	_ =	shalt  }
0x79: {  	_ =	shalt  }
0x7a: {  	_ =	shalt  }
0x7b: {  	_ =	shalt  }
0x7c: {  	_ =	shalt  }
0x7d: {  	_ =	shalt  }
0x7e: {  	_ =	shalt  }
0x7f: {  	_ =	shalt  }
0x80: {  	_ =	shalt  }
0x81: {  	_ =	shalt  }
0x82: {  	_ =	shalt  }
0x83: {  	_ =	shalt  }
0x84: {  	_ =	shalt  }
0x85: {  	_ =	shalt  }
0x86: {  	_ =	shalt  }
0x87: {  	_ =	shalt  }
.Lfunc_end0:
.L_simem_size_0:
called_computation_lowered:
.L_overlay_start_0:
0x88: {  	s2 =	sld [smem:$0x3FD9]  }
0x89: {  	s3 =	sld [smem:$0x3FFE];
	_ =	sdelay $0x1  }
0x8a: {  	s1 =	srdreg.scid  }
0x8b: {  	s0 =	sand.u32 $0x1, s1  }
0x8c: {  	s17 =	sshll.u32 s0, $0xA;
	s2 =	sadd.s32 s3, s2  }
0x8d: {  	s2 =	sadd.s32 s2, s17  }
0x8e: {  	[smem:$0x3FBF] =	sst s2  }
0x8f: {  	_ = 	snop  }
0x90: {  	s2 =	sld [smem:$0x3FD0];
	(tm) =	ssettm $0x1  }
0x91: {  	s18 =	sld [smem:$0x3FFB];
	_ =	sdelay $0x3  }
0x92: {  	_ =	strace s18  }
0x93: {  	s3 =	sld [smem:$0x3FFC];
	_ =	sdelay $0x3  }
0x94: {  	_ =	strace s3  }
0x95: {  	s3 =	sld [smem:$0x3FFD];
	_ =	sdelay $0x3  }
0x96: {  	_ =	strace s3  }
0x97: {  	_ =	strace $0x8FFFFFFF  }
0x98: {  	s19 =	sld [smem:$0x3FDB];
	_ =	sdelay $0x1  }
0x99: {  	s4 =	simm.s32 $_scs_section_size  }
0x9a: {  	s5 =	simm.s32 $_size__tile_overlayer_lowered;
	s6 =	simm.s32 $_tile_overlayer_lowered  }
0x9b: {  	s22 =	simm.s32 $0x1BFF;
	s21 =	sshll.u32 s6, $0x1;
	s3 =	sadd.s32 s4, s19  }
0x9c: {  	s7 =	simm.s32 $0x0;
	s20 =	sshll.u32 s5, $0x1;
	s5 =	sadd.s32 s21, s3  }
0x9d: {  	[timem:s7], [sflag:s22] =	dma.local [hbm:s5], s20  }
0x9e: {  	_ =	swait.ge [sflag:s22], s20  }
0x9f: {  	s4 =	ssub.s32 $0x0, s20;
	[sflag:s22] =	ssyncset.done $0x0  }
0xa0: {  	[sflag:s22] =	ssyncadd.s32 s4;
	_ =	sdelay $0x1  }
0xa1: {  	s23 =	simm.s32 $0x1B8B  }
0xa2: {  	_ =	swait.ge [sflag:s23], $0x1  }
0xa3: {  	[sflag:s23] =	ssyncset.done $0x0  }
0xa4: {  	s25 =	simm.s32 $0x1B8E;
	s24 =	sld [smem:$0x3FFE];
	[sflag:s23] =	ssyncadd.s32 $0xFFFFFFFF  }
0xa5: {  	s26 =	simm.s32 $execute0_lowered;
	[smem:$0x3FD2] =	sst s25  }
0xa6: {  	s5 =	sshll.u32 s26, $0x1;
	_ =	strace $0x80000046;
	[dreg:$0x1] =	wrdreg $0xFFFFFFFF  }
0xa7: {  	s28 =	simm.s32 $_size_execute0_lowered;
	s3 =	sadd.s32 s3, s5;
	[dreg:$0x0] =	wrdreg $0x0  }
0xa8: {  	s5 =	sshll.u32 s28, $0x1;
	[dreg:$0x2] =	wrdreg s3  }
0xa9: {  	[dreg:$0x3] =	wrdreg s5  }
0xaa: {  	[dreg:$0x4] =	wrdreg $0xC0  }
0xab: {  	_ =	task [dreg:s7], $0x5FFFF  }
0xac: {  	[dreg:$0x1] =	wrdreg $0xFFFFFFFF  }
0xad: {  	[dreg:$0x0] =	wrdreg $0x60  }
0xae: {  	[dreg:$0x2] =	wrdreg s2  }
0xaf: {  	[dreg:$0x3] =	wrdreg s24  }
0xb0: {  	[dreg:$0x4] =	wrdreg $0x9  }
0xb1: {  	_ =	task.clear_ibuf [dreg:s7], $0x5FFFF;
	_ =	strace $0x90000046  }
0xb2: {  	s29 =	simm.s32 $0x9;
	_ =	strace $0x80000048  }
0xb3: {  	_ =	swait.ge [sflag:s29], $0x1  }
0xb4: {  	[sflag:s29] =	ssyncadd.s32 $0xFFFFFFFF  }
0xb5: {  	_ =	strace $0x90000048  }
0xb6: {  	_ =	sfence  }
0xb7: {  	s30 =	sld [smem:$0x0];
	_ =	sdelay $0x2  }
0xb8: {  	s31 =	sshll.u32 s1, $0xD;
	s1 =	sshrl.u32 s1, $0x2  }
0xb9: {  	s3 =	sand.u32 $0x4000, s31;
	s1 =	sadd.s32 s1, s30  }
0xba: {  	s0 =	sor.u32 s3, s0;
	s1 =	sshll.u32 s1, $0x11  }
0xbb: {  	s0 =	sor.u32 s1, s0  }
0xbc: {  	s0 =	sadd.s32 $0x8F2B, s0  }
0xbd: {  	[sflag:s0] =	ssyncadd.remote.s32 $0x1  }
0xbe: {  	_ =	sfence.sel $0xFFFF  }
0xbf: {  	[dreg:$0x0] =	wrdreg $0xFFFFFFFF;
	(pc) =	sbr.abs _section_cstart, $3  }
0xc0: {  	[dreg:$0x1] =	wrdreg $0xFFFFFFFF  }
0xc1: {  	_ =	task.clear_ibuf [dreg:s7], $0x2FFFF;
	_ =	strace $0x9FFFFFFF  }
0xc2: {  	(tm) =	ssettm $0x7FFFFFFF  }
0xc3: {  	_ =	shalt  }
tec
execute0_lowered:
.L_overlay_start_1:
0x0: {  	(tag) =	ssettag $0x1  }
0x1: {  	s0 =	srdreg.scid  }
0x2: {  	s1 =	stileid.u32;
	s2 =	rddreg [dreg:$0x0]  }
0x3: {  	s5 =	rddreg [dreg:$0x1];
	s4 =	simm.s32 $0x0;
	s11 =	simm.s32 $0x7  }
0x4: {  	s12 =	simm.s32 $0x1400;
	s13 =	simm.s32 $0x28;
	s14 =	simm.s32 $0x2800  }
0x5: {  	s15 =	simm.s32 $0x5000;
	s16 =	simm.s32 $0x3C00;
	s17 =	simm.s32 $0x1428  }
0x6: {  	s18 =	simm.s32 $0x6400;
	s19 =	simm.s32 $0x1;
	s20 =	simm.s32 $0x3  }
0x7: {  	s21 =	simm.s32 $0x7800;
	s22 =	simm.s32 $0x2;
	s23 =	simm.s32 $0x4  }
0x8: {  	s24 =	simm.s32 $0x8C00;
	s0 =	sand.u32 $0x1, s0;
	s1 =	sshll.u32 s1, $0x1  }
0x9: {  	s25 =	simm.s32 $0x5;
	s26 =	simm.s32 $0x6;
	s1 =	sor.u32 s0, s1  }
0xa: {  	s28 =	simm.s32 $0x0;
	s0 =	ssub.s32 $0x2, s0;
	s3 =	smul.u32 $0x1388, s1  }
0xb: {  	[smem:$0x7FF] =	sst s4;
	s1 =	smul.u32 $0x9C400, s1;
	s31 =	sshrl.u32 s0, $0x1  }
0xc: {  	_ =	strace $0x80000047;
	s0 =	ssub.s32 s0, s31;
	s6 =	sshrl.u32 s3, $0x3  }
0xd: {  	s1 =	sshrl.u32 s1, $0x3;
	s7 =	sadd.s32 s6, s5;
	s5 =	sadd.s32 $0xD200, s5  }
0xe: {  	s8 =	sadd.s32 $0x28, s3;
	s10 =	smax.u32 s0, $0x1;
	s1 =	sadd.s32 s5, s1  }
0xf: {  	s6 =	sadd.s32 $0x3400, s7;
	s7 =	sadd.s32 $0x8220, s7;
	s9 =	sadd.s32 $0x13600, s1  }
.LBB2_1:
0x10: {  	[tilespmem:s4], [sflag:$0x7] =	stream.linear.gather [hbm4b:s6+s4], $0x1388, $0x38;
	[tilespmem:$0xA000] =	vst v63  }
0x11: {  	_ =	swait.ge [sflag:s11], $0x1388  }
0x12: {  	[sflag:s11] =	ssyncset.done $0x0  }
0x13: {  	[sflag:s11] =	ssyncadd.s32 $0xFFFFEC78  }
0x14: {  	[tilespmem:s12], [sflag:$0x7] =	stream.linear.gather [hbm4b:s7+s4], $0x1388, $0x38;
	[tilespmem:$0xA000] =	vst v63  }
0x15: {  	_ =	swait.ge [sflag:s11], $0x1388  }
0x16: {  	[sflag:s11] =	ssyncset.done $0x0  }
0x17: {  	[sflag:s11] =	ssyncadd.s32 $0xFFFFEC78  }
0x18: {  	[tilespmem:s14], [sflag:$0x1] =	stream.indirect.gather [hbm4b:s2+s13], $0x80, s4, s13, $0xb8;
	[tilespmem:$0xA000] =	vst v63  }
0x19: {  	_ = 	snop  }
0x1a: {  	[tilespmem:s15], [sflag:$0x3] =	stream.indirect.gather [hbm4b:s2+s13], $0x80, s12, s13, $0xb8;
	[tilespmem:$0xA000] =	vst v63  }
0x1b: {  	_ = 	snop  }
0x1c: {  	[tilespmem:s16], [sflag:$0x2] =	stream.indirect.gather [hbm4b:s2+s13], $0x80, s13, s13, $0xb8;
	[tilespmem:$0xA000] =	vst v63  }
0x1d: {  	s29 =	simm.s32 $0x0  }
0x1e: {  	[tilespmem:s18], [sflag:$0x4] =	stream.indirect.gather [hbm4b:s2+s13], $0x80, s17, s13, $0xb8;
	[tilespmem:$0xA000] =	vst v63  }
.LBB2_2:
0x1f: {  	p0 =	seq.s32 s29, $0x0  }
0x20: {  	s0 =	simm.s32 @!p0 $0x5  }
0x21: {  	_ =	swait.ge @!p0 [sflag:s0], $0x1400  }
0x22: {  	[sflag:s0] =	ssyncset.done @!p0 $0x0  }
0x23: {  	[sflag:s0] =	ssyncadd.s32 @!p0 $0xFFFFEC00  }
0x24: {  	_ =	swait.ge [sflag:s19], $0x1400  }
0x25: {  	[sflag:s19] =	ssyncset.done $0x0  }
0x26: {  	[sflag:s19] =	ssyncadd.s32 $0xFFFFEC00  }
0x27: {  	_ =	swait.ge [sflag:s20], $0x1400  }
0x28: {  	[sflag:s20] =	ssyncset.done $0x0  }
0x29: {  	s30 =	simm.s32 $0x0;
	[sflag:s20] =	ssyncadd.s32 $0xFFFFEC00  }
0x2a: {  	v0 =	vld [tilespmem:s30+$0x2870]  }
0x2b: {  	v1 =	vld [tilespmem:s30+$0x5070]  }
0x2c: {  	v2 =	vld [tilespmem:s30+$0x2800]  }
0x2d: {  	v3 =	vld [tilespmem:s30+$0x5000]  }
0x2e: {  	v4 =	vld [tilespmem:s30+$0x2810]  }
0x2f: {  	v5 =	vld [tilespmem:s30+$0x5010]  }
0x30: {  	v6 =	vld [tilespmem:s30+$0x2820]  }
0x31: {  	v0 =	vpack.i.f32.bf16 v1, v0;
	v1 =	vld [tilespmem:s30+$0x5020]  }
0x32: {  	[tilespmem:s30+$0x7870] =	vst v0;
	v0 =	vpack.i.f32.bf16 v3, v2;
	v2 =	vld [tilespmem:s30+$0x2830]  }
0x33: {  	[tilespmem:s30+$0x7800] =	vst v0;
	v0 =	vld [tilespmem:s30+$0x5030]  }
0x34: {  	v7 =	vld [tilespmem:s30+$0x5040]  }
0x35: {  	v3 =	vpack.i.f32.bf16 v5, v4;
	v5 =	vld [tilespmem:s30+$0x2840]  }
0x36: {  	[tilespmem:s30+$0x7810] =	vst v3;
	v3 =	vpack.i.f32.bf16 v1, v6;
	v1 =	vld [tilespmem:s30+$0x2850]  }
0x37: {  	[tilespmem:s30+$0x7820] =	vst v3;
	v3 =	vld [tilespmem:s30+$0x5050]  }
0x38: {  	v4 =	vld [tilespmem:s30+$0x5060];
	v0 =	vpack.i.f32.bf16 v0, v2  }
0x39: {  	s31 =	simm.s32 $0x80;
	v2 =	vld [tilespmem:s30+$0x2860];
	[tilespmem:s30+$0x7830] =	vst v0  }
0x3a: {  	s1 =	simm.s32 $0x400;
	v5 =	vpack.i.f32.bf16 v7, v5;
	v0 =	vld [tilespmem:s31+$0x2870]  }
.LBB2_3:
0x3b: {  	p1 =	sne.s32 s1, $0x4E00;
	v6 =	vld [tilespmem:s31+$0x5070];
	[tilespmem:s30+$0x7840] =	vst v5  }
0x3c: {  	v5 =	vld [tilespmem:s31+$0x2800];
	v1 =	vpack.i.f32.bf16 v3, v1  }
0x3d: {  	v3 =	vld [tilespmem:s31+$0x5000];
	[tilespmem:s30+$0x7850] =	vst v1  }
0x3e: {  	v1 =	vld [tilespmem:s31+$0x2810];
	v2 =	vpack.i.f32.bf16 v4, v2  }
0x3f: {  	v4 =	vld [tilespmem:s31+$0x5010];
	[tilespmem:s30+$0x7860] =	vst v2;
	s30 =	smov.u32 s31  }
0x40: {  	v2 =	vld [tilespmem:s30+$0x2820];
	v0 =	vpack.i.f32.bf16 v6, v0  }
0x41: {  	v6 =	vld [tilespmem:s30+$0x5020];
	[tilespmem:s30+$0x7870] =	vst v0  }
0x42: {  	v0 =	vpack.i.f32.bf16 v3, v5;
	v5 =	vld [tilespmem:s30+$0x2830]  }
0x43: {  	[tilespmem:s30+$0x7800] =	vst v0;
	v0 =	vld [tilespmem:s30+$0x5030]  }
0x44: {  	v1 =	vpack.i.f32.bf16 v4, v1;
	v7 =	vld [tilespmem:s30+$0x2840]  }
0x45: {  	[tilespmem:s30+$0x7810] =	vst v1;
	v8 =	vld [tilespmem:s30+$0x5040]  }
.Ltmp0:
0x46: {  	v2 =	vpack.i.f32.bf16 v6, v2;
	v1 =	vld [tilespmem:s30+$0x2850];
	(pc) =	sbr.rel @p1 .LBB2_3-.Ltmp0, $4  }
0x47: {  	[tilespmem:s30+$0x7820] =	vst v2;
	v3 =	vld [tilespmem:s30+$0x5050]  }
0x48: {  	v0 =	vpack.i.f32.bf16 v0, v5;
	v2 =	vld [tilespmem:s30+$0x2860]  }
0x49: {  	s31 =	sshra.s32 s1, $0x2;
	[tilespmem:s30+$0x7830] =	vst v0;
	v4 =	vld [tilespmem:s30+$0x5060]  }
0x4a: {  	s1 =	sadd.s32 $0x200, s1;
	v0 =	vld [tilespmem:s31+$0x2870];
	v5 =	vpack.i.f32.bf16 v8, v7  }
0x4b: {  	v6 =	vld [tilespmem:s31+$0x5070];
	[tilespmem:s30+$0x7840] =	vst v5  }
0x4c: {  	v5 =	vld [tilespmem:s31+$0x2800];
	v1 =	vpack.i.f32.bf16 v3, v1  }
0x4d: {  	v3 =	vld [tilespmem:s31+$0x5000];
	[tilespmem:s30+$0x7850] =	vst v1  }
0x4e: {  	v1 =	vld [tilespmem:s31+$0x2810];
	v2 =	vpack.i.f32.bf16 v4, v2  }
0x4f: {  	v4 =	vld [tilespmem:s31+$0x5010];
	[tilespmem:s30+$0x7860] =	vst v2  }
0x50: {  	v2 =	vld [tilespmem:s31+$0x2820]  }
0x51: {  	v0 =	vpack.i.f32.bf16 v6, v0;
	v6 =	vld [tilespmem:s31+$0x5020]  }
0x52: {  	[tilespmem:s31+$0x7870] =	vst v0;
	v0 =	vpack.i.f32.bf16 v3, v5;
	v3 =	vld [tilespmem:s31+$0x2830]  }
0x53: {  	[tilespmem:s31+$0x7800] =	vst v0;
	v0 =	vld [tilespmem:s31+$0x5030]  }
0x54: {  	v5 =	vld [tilespmem:s31+$0x2850]  }
0x55: {  	v1 =	vpack.i.f32.bf16 v4, v1;
	v4 =	vld [tilespmem:s31+$0x2840]  }
0x56: {  	[tilespmem:s31+$0x7810] =	vst v1;
	v1 =	vld [tilespmem:s31+$0x5040];
	v2 =	vpack.i.f32.bf16 v6, v2  }
0x57: {  	[tilespmem:s31+$0x7820] =	vst v2;
	v2 =	vld [tilespmem:s31+$0x5050]  }
0x58: {  	v0 =	vpack.i.f32.bf16 v0, v3;
	v3 =	vld [tilespmem:s31+$0x2860]  }
0x59: {  	[tilespmem:s31+$0x7830] =	vst v0;
	v0 =	vld [tilespmem:s31+$0x5060];
	_ =	sdelay $0x1  }
0x5a: {  	s30 =	smul.u32 $0x50, s29  }
0x5b: {  	v1 =	vpack.i.f32.bf16 v1, v4  }
0x5c: {  	s0 =	sadd.s32 s3, s30;
	[tilespmem:s31+$0x7840] =	vst v1;
	v1 =	vpack.i.f32.bf16 v2, v5  }
0x5d: {  	s0 =	sshll.u32 s0, $0x4;
	[tilespmem:s31+$0x7850] =	vst v1;
	v0 =	vpack.i.f32.bf16 v0, v3  }
0x5e: {  	s0 =	sadd.s32 s5, s0;
	[tilespmem:s31+$0x7860] =	vst v0  }
0x5f: {  	[hbm4b:s0+s4] =	stream.linear.scatter [tilespmem:s21], [sflag:$0x5], $0x1400, $0x38;
	[tilespmem:$0xA000] =	vst v63  }
0x60: {  	s1 =	sadd.s32 $0x50, s30  }
0x61: {  	[tilespmem:s14], [sflag:$0x1] =	stream.indirect.gather [hbm4b:s2+s13], $0x80, s1, s13, $0xb8;
	[tilespmem:$0xA000] =	vst v63  }
0x62: {  	s0 =	simm.s32 @!p0 $0x6;
	s1 =	sadd.s32 $0x1450, s30  }
0x63: {  	[tilespmem:s15], [sflag:$0x3] =	stream.indirect.gather [hbm4b:s2+s13], $0x80, s1, s13, $0xb8;
	[tilespmem:$0xA000] =	vst v63  }
0x64: {  	_ =	swait.ge @!p0 [sflag:s0], $0x1400  }
0x65: {  	[sflag:s0] =	ssyncset.done @!p0 $0x0  }
0x66: {  	[sflag:s0] =	ssyncadd.s32 @!p0 $0xFFFFEC00  }
0x67: {  	_ =	swait.ge [sflag:s22], $0x1400  }
0x68: {  	[sflag:s22] =	ssyncset.done $0x0  }
0x69: {  	[sflag:s22] =	ssyncadd.s32 $0xFFFFEC00  }
0x6a: {  	_ =	swait.ge [sflag:s23], $0x1400  }
0x6b: {  	[sflag:s23] =	ssyncset.done $0x0  }
0x6c: {  	s31 =	simm.s32 $0x0;
	[sflag:s23] =	ssyncadd.s32 $0xFFFFEC00  }
0x6d: {  	v0 =	vld [tilespmem:s31+$0x3C70]  }
0x6e: {  	v1 =	vld [tilespmem:s31+$0x6470]  }
0x6f: {  	v2 =	vld [tilespmem:s31+$0x3C00]  }
0x70: {  	v3 =	vld [tilespmem:s31+$0x6400]  }
0x71: {  	v4 =	vld [tilespmem:s31+$0x3C10]  }
0x72: {  	v5 =	vld [tilespmem:s31+$0x6410]  }
0x73: {  	v6 =	vld [tilespmem:s31+$0x3C20]  }
0x74: {  	v0 =	vpack.i.f32.bf16 v1, v0;
	v1 =	vld [tilespmem:s31+$0x6420]  }
0x75: {  	[tilespmem:s31+$0x8C70] =	vst v0;
	v0 =	vpack.i.f32.bf16 v3, v2;
	v2 =	vld [tilespmem:s31+$0x3C30]  }
0x76: {  	[tilespmem:s31+$0x8C00] =	vst v0;
	v0 =	vld [tilespmem:s31+$0x6430]  }
0x77: {  	v7 =	vld [tilespmem:s31+$0x6440]  }
0x78: {  	v3 =	vpack.i.f32.bf16 v5, v4;
	v5 =	vld [tilespmem:s31+$0x3C40]  }
0x79: {  	[tilespmem:s31+$0x8C10] =	vst v3;
	v3 =	vpack.i.f32.bf16 v1, v6;
	v1 =	vld [tilespmem:s31+$0x3C50]  }
0x7a: {  	[tilespmem:s31+$0x8C20] =	vst v3;
	v3 =	vld [tilespmem:s31+$0x6450]  }
0x7b: {  	v4 =	vld [tilespmem:s31+$0x6460];
	v0 =	vpack.i.f32.bf16 v0, v2  }
0x7c: {  	s1 =	simm.s32 $0x80;
	v2 =	vld [tilespmem:s31+$0x3C60];
	[tilespmem:s31+$0x8C30] =	vst v0  }
0x7d: {  	s0 =	simm.s32 $0x400;
	v5 =	vpack.i.f32.bf16 v7, v5;
	v0 =	vld [tilespmem:s1+$0x3C70]  }
.LBB2_5:
0x7e: {  	p0 =	sne.s32 s0, $0x4E00;
	v6 =	vld [tilespmem:s1+$0x6470];
	[tilespmem:s31+$0x8C40] =	vst v5  }
0x7f: {  	v5 =	vld [tilespmem:s1+$0x3C00];
	v1 =	vpack.i.f32.bf16 v3, v1  }
0x80: {  	v3 =	vld [tilespmem:s1+$0x6400];
	[tilespmem:s31+$0x8C50] =	vst v1  }
0x81: {  	v1 =	vld [tilespmem:s1+$0x3C10];
	v2 =	vpack.i.f32.bf16 v4, v2  }
0x82: {  	v4 =	vld [tilespmem:s1+$0x6410];
	[tilespmem:s31+$0x8C60] =	vst v2;
	s31 =	smov.u32 s1  }
0x83: {  	v2 =	vld [tilespmem:s31+$0x3C20];
	v0 =	vpack.i.f32.bf16 v6, v0  }
0x84: {  	v6 =	vld [tilespmem:s31+$0x6420];
	[tilespmem:s31+$0x8C70] =	vst v0  }
0x85: {  	v0 =	vpack.i.f32.bf16 v3, v5;
	v5 =	vld [tilespmem:s31+$0x3C30]  }
0x86: {  	[tilespmem:s31+$0x8C00] =	vst v0;
	v0 =	vld [tilespmem:s31+$0x6430]  }
0x87: {  	v1 =	vpack.i.f32.bf16 v4, v1;
	v7 =	vld [tilespmem:s31+$0x3C40]  }
0x88: {  	[tilespmem:s31+$0x8C10] =	vst v1;
	v8 =	vld [tilespmem:s31+$0x6440]  }
.Ltmp1:
0x89: {  	v2 =	vpack.i.f32.bf16 v6, v2;
	v1 =	vld [tilespmem:s31+$0x3C50];
	(pc) =	sbr.rel @p0 .LBB2_5-.Ltmp1, $4  }
0x8a: {  	[tilespmem:s31+$0x8C20] =	vst v2;
	v3 =	vld [tilespmem:s31+$0x6450]  }
0x8b: {  	v0 =	vpack.i.f32.bf16 v0, v5;
	v2 =	vld [tilespmem:s31+$0x3C60]  }
0x8c: {  	s1 =	sshra.s32 s0, $0x2;
	[tilespmem:s31+$0x8C30] =	vst v0;
	v4 =	vld [tilespmem:s31+$0x6460]  }
0x8d: {  	s0 =	sadd.s32 $0x200, s0;
	v0 =	vld [tilespmem:s1+$0x3C70];
	v5 =	vpack.i.f32.bf16 v8, v7  }
0x8e: {  	v6 =	vld [tilespmem:s1+$0x6470];
	[tilespmem:s31+$0x8C40] =	vst v5  }
0x8f: {  	v5 =	vld [tilespmem:s1+$0x3C00];
	v1 =	vpack.i.f32.bf16 v3, v1  }
0x90: {  	v51 =	vld [tilespmem:s1+$0x6400];
	[tilespmem:s31+$0x8C50] =	vst v1  }
0x91: {  	v1 =	vld [tilespmem:s1+$0x3C10];
	v2 =	vpack.i.f32.bf16 v4, v2  }
0x92: {  	v52 =	vld [tilespmem:s1+$0x6410];
	[tilespmem:s31+$0x8C60] =	vst v2  }
0x93: {  	v2 =	vld [tilespmem:s1+$0x3C20]  }
0x94: {  	v53 =	vld [tilespmem:s1+$0x6420]  }
0x95: {  	v55 =	vld [tilespmem:s1+$0x3C30]  }
0x96: {  	v56 =	vld [tilespmem:s1+$0x6430]  }
0x97: {  	v57 =	vld [tilespmem:s1+$0x3C40]  }
0x98: {  	v58 =	vld [tilespmem:s1+$0x6440]  }
0x99: {  	v59 =	vld [tilespmem:s1+$0x3C50]  }
0x9a: {  	v0 =	vpack.i.f32.bf16 v6, v0;
	v60 =	vld [tilespmem:s1+$0x6450]  }
0x9b: {  	v61 =	vld [tilespmem:s1+$0x3C60];
	[tilespmem:s1+$0x8C70] =	vst v0;
	v54 =	vpack.i.f32.bf16 v51, v5  }
0x9c: {  	v62 =	vld [tilespmem:s1+$0x6460];
	[tilespmem:s1+$0x8C00] =	vst v54;
	v1 =	vpack.i.f32.bf16 v52, v1  }
0x9d: {  	[tilespmem:s1+$0x8C10] =	vst v1;
	v2 =	vpack.i.f32.bf16 v53, v2  }
0x9e: {  	p0 =	seq.s32 s29, $0x3D;
	v0 =	vpack.i.f32.bf16 v56, v55;
	[tilespmem:s1+$0x8C20] =	vst v2  }
.Ltmp2:
0x9f: {  	v1 =	vpack.i.f32.bf16 v58, v57;
	[tilespmem:s1+$0x8C30] =	vst v0;
	(pc) =	sbr.rel @p0 .LBB2_8-.Ltmp2, $4  }
0xa0: {  	s0 =	sadd.s32 s30, s8;
	v63 =	vpack.i.f32.bf16 v60, v59;
	[tilespmem:s1+$0x8C40] =	vst v1  }
0xa1: {  	s0 =	sshll.u32 s0, $0x4;
	[tilespmem:s1+$0x8C50] =	vst v63;
	v0 =	vpack.i.f32.bf16 v62, v61  }
0xa2: {  	s0 =	sadd.s32 s5, s0;
	[tilespmem:s1+$0x8C60] =	vst v0  }
0xa3: {  	[hbm4b:s0+s4] =	stream.linear.scatter [tilespmem:s24], [sflag:$0x6], $0x1400, $0x38;
	[tilespmem:$0xA000] =	vst v63  }
.Ltmp3:
0xa4: {  	(pc) =	sbr.rel .LBB2_2-.Ltmp3, $4  }
0xa5: {  	s0 =	sadd.s32 $0x78, s30  }
0xa6: {  	[tilespmem:s16], [sflag:$0x2] =	stream.indirect.gather [hbm4b:s2+s13], $0x80, s0, s13, $0xb8;
	[tilespmem:$0xA000] =	vst v63  }
0xa7: {  	s31 =	sadd.s32 $0x1478, s30;
	s29 =	sadd.s32 $0x1, s29  }
0xa8: {  	[tilespmem:s18], [sflag:$0x4] =	stream.indirect.gather [hbm4b:s2+s13], $0x80, s31, s13, $0xb8;
	[tilespmem:$0xA000] =	vst v63  }
.LBB2_8:
0xa9: {  	_ =	swait.ge [sflag:s25], $0x1400  }
0xaa: {  	[sflag:s25] =	ssyncset.done $0x0  }
0xab: {  	[sflag:s25] =	ssyncadd.s32 $0xFFFFEC00  }
0xac: {  	_ =	swait.ge [sflag:s19], $0x1400  }
0xad: {  	[sflag:s19] =	ssyncset.done $0x0  }
0xae: {  	[sflag:s19] =	ssyncadd.s32 $0xFFFFEC00  }
0xaf: {  	_ =	swait.ge [sflag:s20], $0x1400  }
0xb0: {  	[sflag:s20] =	ssyncset.done $0x0  }
0xb1: {  	s29 =	simm.s32 $0x0;
	[sflag:s20] =	ssyncadd.s32 $0xFFFFEC00  }
0xb2: {  	v0 =	vld [tilespmem:s29+$0x2870]  }
0xb3: {  	v1 =	vld [tilespmem:s29+$0x5070]  }
0xb4: {  	v2 =	vld [tilespmem:s29+$0x2800]  }
0xb5: {  	v3 =	vld [tilespmem:s29+$0x5000]  }
0xb6: {  	v4 =	vld [tilespmem:s29+$0x2810]  }
0xb7: {  	v5 =	vld [tilespmem:s29+$0x5010]  }
0xb8: {  	v6 =	vld [tilespmem:s29+$0x2820]  }
0xb9: {  	v0 =	vpack.i.f32.bf16 v1, v0;
	v1 =	vld [tilespmem:s29+$0x5020]  }
0xba: {  	[tilespmem:s29+$0x7870] =	vst v0;
	v0 =	vpack.i.f32.bf16 v3, v2;
	v2 =	vld [tilespmem:s29+$0x2830]  }
0xbb: {  	[tilespmem:s29+$0x7800] =	vst v0;
	v0 =	vld [tilespmem:s29+$0x5030]  }
0xbc: {  	v7 =	vld [tilespmem:s29+$0x5040]  }
0xbd: {  	v3 =	vpack.i.f32.bf16 v5, v4;
	v5 =	vld [tilespmem:s29+$0x2840]  }
0xbe: {  	[tilespmem:s29+$0x7810] =	vst v3;
	v3 =	vpack.i.f32.bf16 v1, v6;
	v1 =	vld [tilespmem:s29+$0x2850]  }
0xbf: {  	[tilespmem:s29+$0x7820] =	vst v3;
	v3 =	vld [tilespmem:s29+$0x5050]  }
0xc0: {  	v4 =	vld [tilespmem:s29+$0x5060];
	v0 =	vpack.i.f32.bf16 v0, v2  }
0xc1: {  	s1 =	simm.s32 $0x80;
	v2 =	vld [tilespmem:s29+$0x2860];
	[tilespmem:s29+$0x7830] =	vst v0  }
0xc2: {  	s0 =	simm.s32 $0x400;
	v5 =	vpack.i.f32.bf16 v7, v5;
	v0 =	vld [tilespmem:s1+$0x2870]  }
.LBB2_9:
0xc3: {  	p0 =	sne.s32 s0, $0x4E00;
	v6 =	vld [tilespmem:s1+$0x5070];
	[tilespmem:s29+$0x7840] =	vst v5  }
0xc4: {  	v5 =	vld [tilespmem:s1+$0x2800];
	v1 =	vpack.i.f32.bf16 v3, v1  }
0xc5: {  	v3 =	vld [tilespmem:s1+$0x5000];
	[tilespmem:s29+$0x7850] =	vst v1  }
0xc6: {  	v1 =	vld [tilespmem:s1+$0x2810];
	v2 =	vpack.i.f32.bf16 v4, v2  }
0xc7: {  	v4 =	vld [tilespmem:s1+$0x5010];
	[tilespmem:s29+$0x7860] =	vst v2;
	s29 =	smov.u32 s1  }
0xc8: {  	v2 =	vld [tilespmem:s29+$0x2820];
	v0 =	vpack.i.f32.bf16 v6, v0  }
0xc9: {  	v6 =	vld [tilespmem:s29+$0x5020];
	[tilespmem:s29+$0x7870] =	vst v0  }
0xca: {  	v0 =	vpack.i.f32.bf16 v3, v5;
	v5 =	vld [tilespmem:s29+$0x2830]  }
0xcb: {  	[tilespmem:s29+$0x7800] =	vst v0;
	v0 =	vld [tilespmem:s29+$0x5030]  }
0xcc: {  	v1 =	vpack.i.f32.bf16 v4, v1;
	v7 =	vld [tilespmem:s29+$0x2840]  }
0xcd: {  	[tilespmem:s29+$0x7810] =	vst v1;
	v8 =	vld [tilespmem:s29+$0x5040]  }
.Ltmp4:
0xce: {  	v2 =	vpack.i.f32.bf16 v6, v2;
	v1 =	vld [tilespmem:s29+$0x2850];
	(pc) =	sbr.rel @p0 .LBB2_9-.Ltmp4, $4  }
0xcf: {  	[tilespmem:s29+$0x7820] =	vst v2;
	v3 =	vld [tilespmem:s29+$0x5050]  }
0xd0: {  	v0 =	vpack.i.f32.bf16 v0, v5;
	v2 =	vld [tilespmem:s29+$0x2860]  }
0xd1: {  	s1 =	sshra.s32 s0, $0x2;
	[tilespmem:s29+$0x7830] =	vst v0;
	v4 =	vld [tilespmem:s29+$0x5060]  }
0xd2: {  	s0 =	sadd.s32 $0x200, s0;
	v0 =	vld [tilespmem:s1+$0x2870];
	v5 =	vpack.i.f32.bf16 v8, v7  }
0xd3: {  	v6 =	vld [tilespmem:s1+$0x5070];
	[tilespmem:s29+$0x7840] =	vst v5  }
0xd4: {  	v5 =	vld [tilespmem:s1+$0x2800];
	v1 =	vpack.i.f32.bf16 v3, v1  }
0xd5: {  	v51 =	vld [tilespmem:s1+$0x5000];
	[tilespmem:s29+$0x7850] =	vst v1  }
0xd6: {  	v1 =	vld [tilespmem:s1+$0x2810];
	v2 =	vpack.i.f32.bf16 v4, v2  }
0xd7: {  	v52 =	vld [tilespmem:s1+$0x5010];
	[tilespmem:s29+$0x7860] =	vst v2  }
0xd8: {  	v2 =	vld [tilespmem:s1+$0x2820]  }
0xd9: {  	v53 =	vld [tilespmem:s1+$0x5020]  }
0xda: {  	v55 =	vld [tilespmem:s1+$0x2830]  }
0xdb: {  	v56 =	vld [tilespmem:s1+$0x5030]  }
0xdc: {  	v57 =	vld [tilespmem:s1+$0x2840]  }
0xdd: {  	v58 =	vld [tilespmem:s1+$0x5040]  }
0xde: {  	v59 =	vld [tilespmem:s1+$0x2850]  }
0xdf: {  	v0 =	vpack.i.f32.bf16 v6, v0;
	v60 =	vld [tilespmem:s1+$0x5050]  }
0xe0: {  	v61 =	vld [tilespmem:s1+$0x2860];
	[tilespmem:s1+$0x7870] =	vst v0;
	v54 =	vpack.i.f32.bf16 v51, v5  }
0xe1: {  	v62 =	vld [tilespmem:s1+$0x5060];
	[tilespmem:s1+$0x7800] =	vst v54;
	v1 =	vpack.i.f32.bf16 v52, v1  }
0xe2: {  	[tilespmem:s1+$0x7810] =	vst v1;
	v2 =	vpack.i.f32.bf16 v53, v2  }
0xe3: {  	v0 =	vpack.i.f32.bf16 v56, v55;
	[tilespmem:s1+$0x7820] =	vst v2  }
0xe4: {  	v1 =	vpack.i.f32.bf16 v58, v57;
	[tilespmem:s1+$0x7830] =	vst v0  }
0xe5: {  	v63 =	vpack.i.f32.bf16 v60, v59;
	[tilespmem:s1+$0x7840] =	vst v1  }
0xe6: {  	[tilespmem:s1+$0x7850] =	vst v63;
	v0 =	vpack.i.f32.bf16 v62, v61  }
0xe7: {  	s28 =	sadd.s32 $0x1, s28;
	[tilespmem:s1+$0x7860] =	vst v0  }
0xe8: {  	[hbm4b:s9+s4] =	stream.linear.scatter [tilespmem:s21], [sflag:$0x5], $0x1400, $0x38;
	[tilespmem:$0xA000] =	vst v63  }
0xe9: {  	p0 =	sne.s32 s28, s10;
	_ =	swait.ge [sflag:s26], $0x1400  }
.Ltmp5:
0xea: {  	[sflag:s26] =	ssyncset.done $0x0;
	(pc) =	sbr.rel @p0 .LBB2_1-.Ltmp5, $4  }
0xeb: {  	[sflag:s26] =	ssyncadd.s32 $0xFFFFEC00  }
0xec: {  	_ =	swait.ge [sflag:s25], $0x1400  }
0xed: {  	[sflag:s25] =	ssyncset.done $0x0  }
0xee: {  	[sflag:s25] =	ssyncadd.s32 $0xFFFFEC00  }
0xef: {  	_ =	sfence.sel $0x180000  }
0xf0: {  	[bflag:$0x0] =	sbarrier.arrive $0xFFFF  }
0xf1: {  	_ =	strace $0x90000047  }
0xf2: {  	s0 =	stileid.u32;
	[bflag:$0x2] =	sbarrier.arrive $0xFFFF  }
0xf3: {  	p0 =	sne.s32 s0, $0x0;
	s0 =	rddreg [dreg:$0x2]  }
0xf4: {  	s0 =	sadd.s32 @!p0 $0x100000, s0  }
0xf5: {  	[sflag:s0] =	ssyncadd.tile.s32 @!p0 $0x1;
	_ =	shalt  }
.Lfunc_end2:
_tile_overlayer_lowered:
.L_overlay_start_2:
0xf6: {  	(tag) =	ssettag $0x2  }
0xf7: {  	s0 =	rddreg [dreg:$0x0];
	s2 =	stileid.u32  }
0xf8: {  	s1 =	rddreg [dreg:$0x1];
	p0 =	sne.s32 s2, $0x0  }
0xf9: {  	s3 =	rddreg [dreg:$0x2];
	[bflag:$0x3] =	sbarrier.arrive $0xFFFF;
	s2 =	simm.s32 @!p0 $0x1C07  }
0xfa: {  	[timem:s3], [sflag:s2] =	dma.local @!p0 [hbm:s0], s1  }
0xfb: {  	s0 =	simm.s32 @!p0 $0x7  }
0xfc: {  	_ =	swait.ge @!p0 [sflag:s0], s1  }
0xfd: {  	s1 =	ssub.s32 @!p0 $0x0, s1;
	[sflag:s0] =	ssyncset.done @!p0 $0x0  }
0xfe: {  	[sflag:s0] =	ssyncadd.s32 @!p0 s1  }
0xff: {  	[bflag:$0x3] =	sbarrier.arrive $0xFFFF  }
0x100: {  	_ =	shalt  }

</sc_bundles>
